<compile_context>
chip_gen: v7x
topology: tpu7x:2x2x1
jax: 0.10.2.dev20260603
libtpu: 0.0.44.dev20260713+nightly
codegen_flags: <defaults>
</compile_context>

<pallas_src>
import functools

import jax
import jax.numpy as jnp
from jax import lax
from jax.experimental import pallas as pl
from jax.experimental.pallas import tpu as pltpu
from jax.experimental.pallas import tpu_sc as plsc

_N_NODES = 100000
_MAX_DEG = 64
_BATCH = 16384
_NUM_SAMPLES = 16

_info = plsc.get_sparse_core_info()
_NC, _NS, _L = _info.num_cores, _info.num_subcores, _info.num_lanes
_NW = _NC * _NS
_B_PER_W = _BATCH // _NW


def _make_sampler():
    mesh = plsc.VectorSubcoreMesh(core_axis_name="c", subcore_axis_name="s")

    @functools.partial(
        pl.kernel,
        mesh=mesh,
        compiler_params=pltpu.CompilerParams(
            skip_device_barrier=True,
            disable_semaphore_checks=True,
            disable_bounds_checks=True,
        ),
        out_type=jax.ShapeDtypeStruct((_BATCH * _NUM_SAMPLES,), jnp.int32),
        scratch_types=[
            pltpu.VMEM((_B_PER_W,), jnp.int32),
            pltpu.VMEM((_L,), jnp.int32),
            pltpu.VMEM((_B_PER_W, _MAX_DEG), jnp.int32),
            pltpu.VMEM((_B_PER_W * _NUM_SAMPLES,), jnp.int32),
            pltpu.SemaphoreType.DMA,
        ],
    )
    def sampler(ids_hbm, adj_hbm, cols_hbm, out_hbm,
                ids_v, cols_v, rows_v, out_v, sem):
        wid = lax.axis_index("s") * _NC + lax.axis_index("c")
        base = wid * _B_PER_W
        pltpu.sync_copy(ids_hbm.at[pl.ds(base, _B_PER_W)], ids_v)
        pltpu.sync_copy(cols_hbm, cols_v)

        def fire(c, carry):
            v = ids_v[pl.ds(c * _L, _L)]
            for k in range(_L):
                pltpu.async_copy(adj_hbm.at[v[k]], rows_v.at[c * _L + k], sem)
            return carry

        lax.fori_loop(0, _B_PER_W // _L, fire, 0)
        pltpu.make_async_copy(
            adj_hbm.at[pl.ds(0, _B_PER_W)], rows_v, sem).wait()

        cols = cols_v[...]
        lane = jnp.bitwise_and(cols, _L - 1)
        sel0 = cols < _L
        sel1 = cols < 2 * _L
        sel2 = cols < 3 * _L

        def body(i, carry):
            q0 = rows_v[i, pl.ds(0 * _L, _L)]
            q1 = rows_v[i, pl.ds(1 * _L, _L)]
            q2 = rows_v[i, pl.ds(2 * _L, _L)]
            q3 = rows_v[i, pl.ds(3 * _L, _L)]
            g0 = q0.at[lane].get(mode="promise_in_bounds")
            g1 = q1.at[lane].get(mode="promise_in_bounds")
            g2 = q2.at[lane].get(mode="promise_in_bounds")
            g3 = q3.at[lane].get(mode="promise_in_bounds")
            r01 = jnp.where(sel0, g0, g1)
            r23 = jnp.where(sel2, g2, g3)
            out_v[pl.ds(i * _NUM_SAMPLES, _NUM_SAMPLES)] = jnp.where(
                sel1, r01, r23)
            return carry

        lax.fori_loop(0, _B_PER_W, body, 0)
        pltpu.sync_copy(
            out_v,
            out_hbm.at[pl.ds(base * _NUM_SAMPLES, _B_PER_W * _NUM_SAMPLES)])

    return sampler


_sampler = _make_sampler()


def kernel(ids, adj_info, num_samples):
    perm = jax.random.permutation(jax.random.key(42), _MAX_DEG)
    col_idx = jnp.minimum(jnp.arange(_NUM_SAMPLES), num_samples - 1)
    cols = perm[col_idx].astype(jnp.int32)
    flat = _sampler(ids, adj_info, cols)
    return flat.reshape(_BATCH, _NUM_SAMPLES)

# --- scband reference (transcript-rebuilt; emitter-appended) ---
"""Pipeline reference for scband-uniform-neighbor-sampler-32487132627076 (READ-ONLY COPY).

The authoritative reference and input builder live on the scoring server;
editing this copy changes nothing except your own understanding.
"""

import jax, jax.numpy as jnp
import numpy as np

N_NODES = 100000
MAX_DEG = 64
BATCH = 16384

NUM_SAMPLES_STATIC = 16


def setup_inputs(seed: int = 0) -> dict:
    key = jax.random.key(seed)
    k1, k2 = jax.random.split(key)
    # adj_info is a constructor argument (a fixed adjacency table), materialized here
    adj_info = jax.random.randint(k1, (N_NODES, MAX_DEG), 0, N_NODES, dtype=jnp.int32)
    ids = jax.random.randint(k2, (BATCH,), 0, N_NODES, dtype=jnp.int32)
    num_samples = 16  # python int scalar forward arg
    return {"ids": ids, "adj_info": adj_info, "num_samples": num_samples}


def reference(ids, adj_info, num_samples):
    # adj_lists = self.adj_info[ids]  -> row gather
    adj_lists = jnp.take(adj_info, ids, axis=0)
    # perm = torch.randperm(adj_lists.shape[1]) -> fixed-key permutation for determinism
    perm = jax.random.permutation(jax.random.key(42), adj_lists.shape[1])
    # adj_lists = adj_lists[:, perm]
    adj_lists = jnp.take(adj_lists, perm, axis=1)
    # adj_lists = adj_lists[:, :num_samples]
    col_idx = jnp.minimum(jnp.arange(NUM_SAMPLES_STATIC), num_samples - 1)
    adj_lists = jnp.take(adj_lists, col_idx, axis=1)
    return adj_lists

if __name__ == "__main__":
    import jax
    _d = setup_inputs()
    print(jax.jit(kernel)(*tuple(_d.values())))

</pallas_src>

<mosaic_0001>
#map = affine_map<(d0, d1) -> (0)>
#map1 = affine_map<(d0, d1) -> (0, 0)>
module attributes {stable_mosaic.version = 14 : i64} {
  func.func @sampler(%arg0: i32, %arg1: i32, %arg2: memref<16384xi32, #tpu.memory_space<hbm>>, %arg3: memref<100000x64xi32, #tpu.memory_space<hbm>>, %arg4: memref<16xi32, #tpu.memory_space<hbm>>, %arg5: memref<262144xi32, #tpu.memory_space<hbm>>, %arg6: memref<512xi32, #tpu.memory_space<vmem>>, %arg7: memref<16xi32, #tpu.memory_space<vmem>>, %arg8: memref<512x64xi32, #tpu.memory_space<vmem>>, %arg9: memref<8192xi32, #tpu.memory_space<vmem>>, %arg10: memref<!tpu.dma_semaphore, #tpu.memory_space<semaphore_mem>>) attributes {dimension_semantics = [#tpu.dimension_semantics<core_parallel>, #tpu.dimension_semantics<subcore_parallel>], iteration_bounds = array<i64: 2, 16>, scalar_prefetch = 0 : i64, scratch_operands = 5 : i64, tpu.core_type = #tpu.core_type<sc_vector_subcore>, window_params = [{transform_indices = #map}, {transform_indices = #map1}, {transform_indices = #map}, {transform_indices = #map}]} {
    %mul3A = arith.constant 2 : i32
    %mul3A_0 = arith.muli %arg1, %mul3A : i32
    %add3A = arith.addi %mul3A_0, %arg0 : i32
    %mul3A_1 = arith.constant 512 : i32
    %mul3A_2 = arith.muli %add3A, %mul3A_1 : i32
    "tpu.region"() ({
      %run_scoped3A = tpu.sem_alloc : memref<!tpu.dma_semaphore, #tpu.memory_space<semaphore_mem>>
      %dma_start3A = tpu.memref_slice %arg2[%mul3A_2] : memref<16384xi32, #tpu.memory_space<hbm>> -> memref<512xi32, #tpu.memory_space<hbm>>
      %dma_start3A_33 = tpu.memref_slice %arg2[%mul3A_2] : memref<16384xi32, #tpu.memory_space<hbm>> -> memref<512xi32, #tpu.memory_space<hbm>>
      tpu.enqueue_dma source(%dma_start3A_33 : memref<512xi32, #tpu.memory_space<hbm>>) target(%arg6 : memref<512xi32, #tpu.memory_space<vmem>>) target_semaphore(%run_scoped3A : memref<!tpu.dma_semaphore, #tpu.memory_space<semaphore_mem>>)
      %dma_wait3A_34 = tpu.memref_slice %arg2[%mul3A_2] : memref<16384xi32, #tpu.memory_space<hbm>> -> memref<512xi32, #tpu.memory_space<hbm>>
      %dma_wait3A_35 = tpu.memref_slice %arg2[%mul3A_2] : memref<16384xi32, #tpu.memory_space<hbm>> -> memref<512xi32, #tpu.memory_space<hbm>>
      tpu.wait_dma2 semaphore(%run_scoped3A : memref<!tpu.dma_semaphore, #tpu.memory_space<semaphore_mem>>) src(%dma_wait3A_35 : memref<512xi32, #tpu.memory_space<hbm>>) dst(%arg6 : memref<512xi32, #tpu.memory_space<vmem>>)
      tpu.yield
    }) : () -> ()
    "tpu.region"() ({
      %run_scoped3A = tpu.sem_alloc : memref<!tpu.dma_semaphore, #tpu.memory_space<semaphore_mem>>
      tpu.enqueue_dma source(%arg4 : memref<16xi32, #tpu.memory_space<hbm>>) target(%arg7 : memref<16xi32, #tpu.memory_space<vmem>>) target_semaphore(%run_scoped3A : memref<!tpu.dma_semaphore, #tpu.memory_space<semaphore_mem>>)
      tpu.wait_dma2 semaphore(%run_scoped3A : memref<!tpu.dma_semaphore, #tpu.memory_space<semaphore_mem>>) src(%arg4 : memref<16xi32, #tpu.memory_space<hbm>>) dst(%arg7 : memref<16xi32, #tpu.memory_space<vmem>>)
      tpu.yield
    }) : () -> ()
    %scan3A = arith.constant 0 : i32
    %scan3A_3 = arith.constant 0 : i32
    %scan3A_4 = arith.constant 32 : i32
    %scan3A_5 = arith.addi %scan3A_3, %scan3A_4 : i32
    %scan3A_6 = arith.constant 1 : i32
    scf.for %scan3A_33 = %scan3A_3 to %scan3A_5 step %scan3A_6  : i32 {
      %mul3A_34 = arith.constant 16 : i32
      %mul3A_35 = arith.muli %scan3A_33, %mul3A_34 : i32
      %get3A_36 = arith.index_cast %mul3A_35 : i32 to index
      %get3A_37 = tpu.vector_load %arg6[%get3A_36] {strides = array<i32>} : memref<512xi32, #tpu.memory_space<vmem>>, vector<16xi32>,
      %get3A_38 = vector.shape_cast %get3A_37 : vector<16xi32> to vector<16xi32>
      %slice3A = vector.extract_strided_slice %get3A_38 {offsets = [0], sizes = [1], strides = [1]} : vector<16xi32> to vector<1xi32>
      %squeeze3A = vector.extract %slice3A[0] : i32 from vector<1xi32>
      %mul3A_39 = arith.constant 16 : i32
      %mul3A_40 = arith.muli %scan3A_33, %mul3A_39 : i32
      %add3A_41 = arith.constant 0 : i32
      %add3A_42 = arith.addi %mul3A_40, %add3A_41 : i32
      %dma_start3A = arith.constant 0 : i32
      %dma_start3A_43 = tpu.memref_slice %arg8[%add3A_42, %dma_start3A] : memref<512x64xi32, #tpu.memory_space<vmem>> -> memref<1x64xi32, #tpu.memory_space<vmem>>
      %dma_start3A_44 = tpu.memref_squeeze %dma_start3A_43 : memref<1x64xi32, #tpu.memory_space<vmem>> -> memref<64xi32, #tpu.memory_space<vmem>>
      %dma_start3A_45 = arith.constant 0 : i32
      %dma_start3A_46 = tpu.memref_slice %arg3[%squeeze3A, %dma_start3A_45] : memref<100000x64xi32, #tpu.memory_space<hbm>> -> memref<1x64xi32, #tpu.memory_space<hbm>>
      %dma_start3A_47 = tpu.memref_squeeze %dma_start3A_46 : memref<1x64xi32, #tpu.memory_space<hbm>> -> memref<64xi32, #tpu.memory_space<hbm>>
      %dma_start3A_48 = arith.constant 0 : i32
      %dma_start3A_49 = tpu.memref_slice %arg8[%add3A_42, %dma_start3A_48] : memref<512x64xi32, #tpu.memory_space<vmem>> -> memref<1x64xi32, #tpu.memory_space<vmem>>
      %dma_start3A_50 = tpu.memref_squeeze %dma_start3A_49 : memref<1x64xi32, #tpu.memory_space<vmem>> -> memref<64xi32, #tpu.memory_space<vmem>>
      %dma_start3A_51 = arith.constant 0 : i32
      %dma_start3A_52 = tpu.memref_slice %arg3[%squeeze3A, %dma_start3A_51] : memref<100000x64xi32, #tpu.memory_space<hbm>> -> memref<1x64xi32, #tpu.memory_space<hbm>>
      %dma_start3A_53 = tpu.memref_squeeze %dma_start3A_52 : memref<1x64xi32, #tpu.memory_space<hbm>> -> memref<64xi32, #tpu.memory_space<hbm>>
      tpu.enqueue_dma source(%dma_start3A_53 : memref<64xi32, #tpu.memory_space<hbm>>) target(%dma_start3A_50 : memref<64xi32, #tpu.memory_space<vmem>>) target_semaphore(%arg10 : memref<!tpu.dma_semaphore, #tpu.memory_space<semaphore_mem>>)
      %slice3A_54 = vector.extract_strided_slice %get3A_38 {offsets = [1], sizes = [1], strides = [1]} : vector<16xi32> to vector<1xi32>
      %squeeze3A_55 = vector.extract %slice3A_54[0] : i32 from vector<1xi32>
      %mul3A_56 = arith.constant 16 : i32
      %mul3A_57 = arith.muli %scan3A_33, %mul3A_56 : i32
      %add3A_58 = arith.constant 1 : i32
      %add3A_59 = arith.addi %mul3A_57, %add3A_58 : i32
      %dma_start3A_60 = arith.constant 0 : i32
      %dma_start3A_61 = tpu.memref_slice %arg8[%add3A_59, %dma_start3A_60] : memref<512x64xi32, #tpu.memory_space<vmem>> -> memref<1x64xi32, #tpu.memory_space<vmem>>
      %dma_start3A_62 = tpu.memref_squeeze %dma_start3A_61 : memref<1x64xi32, #tpu.memory_space<vmem>> -> memref<64xi32, #tpu.memory_space<vmem>>
      %dma_start3A_63 = arith.constant 0 : i32
      %dma_start3A_64 = tpu.memref_slice %arg3[%squeeze3A_55, %dma_start3A_63] : memref<100000x64xi32, #tpu.memory_space<hbm>> -> memref<1x64xi32, #tpu.memory_space<hbm>>
      %dma_start3A_65 = tpu.memref_squeeze %dma_start3A_64 : memref<1x64xi32, #tpu.memory_space<hbm>> -> memref<64xi32, #tpu.memory_space<hbm>>
      %dma_start3A_66 = arith.constant 0 : i32
      %dma_start3A_67 = tpu.memref_slice %arg8[%add3A_59, %dma_start3A_66] : memref<512x64xi32, #tpu.memory_space<vmem>> -> memref<1x64xi32, #tpu.memory_space<vmem>>
      %dma_start3A_68 = tpu.memref_squeeze %dma_start3A_67 : memref<1x64xi32, #tpu.memory_space<vmem>> -> memref<64xi32, #tpu.memory_space<vmem>>
      %dma_start3A_69 = arith.constant 0 : i32
      %dma_start3A_70 = tpu.memref_slice %arg3[%squeeze3A_55, %dma_start3A_69] : memref<100000x64xi32, #tpu.memory_space<hbm>> -> memref<1x64xi32, #tpu.memory_space<hbm>>
      %dma_start3A_71 = tpu.memref_squeeze %dma_start3A_70 : memref<1x64xi32, #tpu.memory_space<hbm>> -> memref<64xi32, #tpu.memory_space<hbm>>
      tpu.enqueue_dma source(%dma_start3A_71 : memref<64xi32, #tpu.memory_space<hbm>>) target(%dma_start3A_68 : memref<64xi32, #tpu.memory_space<vmem>>) target_semaphore(%arg10 : memref<!tpu.dma_semaphore, #tpu.memory_space<semaphore_mem>>)
      %slice3A_72 = vector.extract_strided_slice %get3A_38 {offsets = [2], sizes = [1], strides = [1]} : vector<16xi32> to vector<1xi32>
      %squeeze3A_73 = vector.extract %slice3A_72[0] : i32 from vector<1xi32>
      %mul3A_74 = arith.constant 16 : i32
      %mul3A_75 = arith.muli %scan3A_33, %mul3A_74 : i32
      %add3A_76 = arith.constant 2 : i32
      %add3A_77 = arith.addi %mul3A_75, %add3A_76 : i32
      %dma_start3A_78 = arith.constant 0 : i32
      %dma_start3A_79 = tpu.memref_slice %arg8[%add3A_77, %dma_start3A_78] : memref<512x64xi32, #tpu.memory_space<vmem>> -> memref<1x64xi32, #tpu.memory_space<vmem>>
      %dma_start3A_80 = tpu.memref_squeeze %dma_start3A_79 : memref<1x64xi32, #tpu.memory_space<vmem>> -> memref<64xi32, #tpu.memory_space<vmem>>
      %dma_start3A_81 = arith.constant 0 : i32
      %dma_start3A_82 = tpu.memref_slice %arg3[%squeeze3A_73, %dma_start3A_81] : memref<100000x64xi32, #tpu.memory_space<hbm>> -> memref<1x64xi32, #tpu.memory_space<hbm>>
      %dma_start3A_83 = tpu.memref_squeeze %dma_start3A_82 : memref<1x64xi32, #tpu.memory_space<hbm>> -> memref<64xi32, #tpu.memory_space<hbm>>
      %dma_start3A_84 = arith.constant 0 : i32
      %dma_start3A_85 = tpu.memref_slice %arg8[%add3A_77, %dma_start3A_84] : memref<512x64xi32, #tpu.memory_space<vmem>> -> memref<1x64xi32, #tpu.memory_space<vmem>>
      %dma_start3A_86 = tpu.memref_squeeze %dma_start3A_85 : memref<1x64xi32, #tpu.memory_space<vmem>> -> memref<64xi32, #tpu.memory_space<vmem>>
      %dma_start3A_87 = arith.constant 0 : i32
      %dma_start3A_88 = tpu.memref_slice %arg3[%squeeze3A_73, %dma_start3A_87] : memref<100000x64xi32, #tpu.memory_space<hbm>> -> memref<1x64xi32, #tpu.memory_space<hbm>>
      %dma_start3A_89 = tpu.memref_squeeze %dma_start3A_88 : memref<1x64xi32, #tpu.memory_space<hbm>> -> memref<64xi32, #tpu.memory_space<hbm>>
      tpu.enqueue_dma source(%dma_start3A_89 : memref<64xi32, #tpu.memory_space<hbm>>) target(%dma_start3A_86 : memref<64xi32, #tpu.memory_space<vmem>>) target_semaphore(%arg10 : memref<!tpu.dma_semaphore, #tpu.memory_space<semaphore_mem>>)
      %slice3A_90 = vector.extract_strided_slice %get3A_38 {offsets = [3], sizes = [1], strides = [1]} : vector<16xi32> to vector<1xi32>
      %squeeze3A_91 = vector.extract %slice3A_90[0] : i32 from vector<1xi32>
      %mul3A_92 = arith.constant 16 : i32
      %mul3A_93 = arith.muli %scan3A_33, %mul3A_92 : i32
      %add3A_94 = arith.constant 3 : i32
      %add3A_95 = arith.addi %mul3A_93, %add3A_94 : i32
      %dma_start3A_96 = arith.constant 0 : i32
      %dma_start3A_97 = tpu.memref_slice %arg8[%add3A_95, %dma_start3A_96] : memref<512x64xi32, #tpu.memory_space<vmem>> -> memref<1x64xi32, #tpu.memory_space<vmem>>
      %dma_start3A_98 = tpu.memref_squeeze %dma_start3A_97 : memref<1x64xi32, #tpu.memory_space<vmem>> -> memref<64xi32, #tpu.memory_space<vmem>>
      %dma_start3A_99 = arith.constant 0 : i32
      %dma_start3A_100 = tpu.memref_slice %arg3[%squeeze3A_91, %dma_start3A_99] : memref<100000x64xi32, #tpu.memory_space<hbm>> -> memref<1x64xi32, #tpu.memory_space<hbm>>
      %dma_start3A_101 = tpu.memref_squeeze %dma_start3A_100 : memref<1x64xi32, #tpu.memory_space<hbm>> -> memref<64xi32, #tpu.memory_space<hbm>>
      %dma_start3A_102 = arith.constant 0 : i32
      %dma_start3A_103 = tpu.memref_slice %arg8[%add3A_95, %dma_start3A_102] : memref<512x64xi32, #tpu.memory_space<vmem>> -> memref<1x64xi32, #tpu.memory_space<vmem>>
      %dma_start3A_104 = tpu.memref_squeeze %dma_start3A_103 : memref<1x64xi32, #tpu.memory_space<vmem>> -> memref<64xi32, #tpu.memory_space<vmem>>
      %dma_start3A_105 = arith.constant 0 : i32
      %dma_start3A_106 = tpu.memref_slice %arg3[%squeeze3A_91, %dma_start3A_105] : memref<100000x64xi32, #tpu.memory_space<hbm>> -> memref<1x64xi32, #tpu.memory_space<hbm>>
      %dma_start3A_107 = tpu.memref_squeeze %dma_start3A_106 : memref<1x64xi32, #tpu.memory_space<hbm>> -> memref<64xi32, #tpu.memory_space<hbm>>
      tpu.enqueue_dma source(%dma_start3A_107 : memref<64xi32, #tpu.memory_space<hbm>>) target(%dma_start3A_104 : memref<64xi32, #tpu.memory_space<vmem>>) target_semaphore(%arg10 : memref<!tpu.dma_semaphore, #tpu.memory_space<semaphore_mem>>)
      %slice3A_108 = vector.extract_strided_slice %get3A_38 {offsets = [4], sizes = [1], strides = [1]} : vector<16xi32> to vector<1xi32>
      %squeeze3A_109 = vector.extract %slice3A_108[0] : i32 from vector<1xi32>
      %mul3A_110 = arith.constant 16 : i32
      %mul3A_111 = arith.muli %scan3A_33, %mul3A_110 : i32
      %add3A_112 = arith.constant 4 : i32
      %add3A_113 = arith.addi %mul3A_111, %add3A_112 : i32
      %dma_start3A_114 = arith.constant 0 : i32
      %dma_start3A_115 = tpu.memref_slice %arg8[%add3A_113, %dma_start3A_114] : memref<512x64xi32, #tpu.memory_space<vmem>> -> memref<1x64xi32, #tpu.memory_space<vmem>>
      %dma_start3A_116 = tpu.memref_squeeze %dma_start3A_115 : memref<1x64xi32, #tpu.memory_space<vmem>> -> memref<64xi32, #tpu.memory_space<vmem>>
      %dma_start3A_117 = arith.constant 0 : i32
      %dma_start3A_118 = tpu.memref_slice %arg3[%squeeze3A_109, %dma_start3A_117] : memref<100000x64xi32, #tpu.memory_space<hbm>> -> memref<1x64xi32, #tpu.memory_space<hbm>>
      %dma_start3A_119 = tpu.memref_squeeze %dma_start3A_118 : memref<1x64xi32, #tpu.memory_space<hbm>> -> memref<64xi32, #tpu.memory_space<hbm>>
      %dma_start3A_120 = arith.constant 0 : i32
      %dma_start3A_121 = tpu.memref_slice %arg8[%add3A_113, %dma_start3A_120] : memref<512x64xi32, #tpu.memory_space<vmem>> -> memref<1x64xi32, #tpu.memory_space<vmem>>
      %dma_start3A_122 = tpu.memref_squeeze %dma_start3A_121 : memref<1x64xi32, #tpu.memory_space<vmem>> -> memref<64xi32, #tpu.memory_space<vmem>>
      %dma_start3A_123 = arith.constant 0 : i32
      %dma_start3A_124 = tpu.memref_slice %arg3[%squeeze3A_109, %dma_start3A_123] : memref<100000x64xi32, #tpu.memory_space<hbm>> -> memref<1x64xi32, #tpu.memory_space<hbm>>
      %dma_start3A_125 = tpu.memref_squeeze %dma_start3A_124 : memref<1x64xi32, #tpu.memory_space<hbm>> -> memref<64xi32, #tpu.memory_space<hbm>>
      tpu.enqueue_dma source(%dma_start3A_125 : memref<64xi32, #tpu.memory_space<hbm>>) target(%dma_start3A_122 : memref<64xi32, #tpu.memory_space<vmem>>) target_semaphore(%arg10 : memref<!tpu.dma_semaphore, #tpu.memory_space<semaphore_mem>>)
      %slice3A_126 = vector.extract_strided_slice %get3A_38 {offsets = [5], sizes = [1], strides = [1]} : vector<16xi32> to vector<1xi32>
      %squeeze3A_127 = vector.extract %slice3A_126[0] : i32 from vector<1xi32>
      %mul3A_128 = arith.constant 16 : i32
      %mul3A_129 = arith.muli %scan3A_33, %mul3A_128 : i32
      %add3A_130 = arith.constant 5 : i32
      %add3A_131 = arith.addi %mul3A_129, %add3A_130 : i32
      %dma_start3A_132 = arith.constant 0 : i32
      %dma_start3A_133 = tpu.memref_slice %arg8[%add3A_131, %dma_start3A_132] : memref<512x64xi32, #tpu.memory_space<vmem>> -> memref<1x64xi32, #tpu.memory_space<vmem>>
      %dma_start3A_134 = tpu.memref_squeeze %dma_start3A_133 : memref<1x64xi32, #tpu.memory_space<vmem>> -> memref<64xi32, #tpu.memory_space<vmem>>
      %dma_start3A_135 = arith.constant 0 : i32
      %dma_start3A_136 = tpu.memref_slice %arg3[%squeeze3A_127, %dma_start3A_135] : memref<100000x64xi32, #tpu.memory_space<hbm>> -> memref<1x64xi32, #tpu.memory_space<hbm>>
      %dma_start3A_137 = tpu.memref_squeeze %dma_start3A_136 : memref<1x64xi32, #tpu.memory_space<hbm>> -> memref<64xi32, #tpu.memory_space<hbm>>
      %dma_start3A_138 = arith.constant 0 : i32
      %dma_start3A_139 = tpu.memref_slice %arg8[%add3A_131, %dma_start3A_138] : memref<512x64xi32, #tpu.memory_space<vmem>> -> memref<1x64xi32, #tpu.memory_space<vmem>>
      %dma_start3A_140 = tpu.memref_squeeze %dma_start3A_139 : memref<1x64xi32, #tpu.memory_space<vmem>> -> memref<64xi32, #tpu.memory_space<vmem>>
      %dma_start3A_141 = arith.constant 0 : i32
      %dma_start3A_142 = tpu.memref_slice %arg3[%squeeze3A_127, %dma_start3A_141] : memref<100000x64xi32, #tpu.memory_space<hbm>> -> memref<1x64xi32, #tpu.memory_space<hbm>>
      %dma_start3A_143 = tpu.memref_squeeze %dma_start3A_142 : memref<1x64xi32, #tpu.memory_space<hbm>> -> memref<64xi32, #tpu.memory_space<hbm>>
      tpu.enqueue_dma source(%dma_start3A_143 : memref<64xi32, #tpu.memory_space<hbm>>) target(%dma_start3A_140 : memref<64xi32, #tpu.memory_space<vmem>>) target_semaphore(%arg10 : memref<!tpu.dma_semaphore, #tpu.memory_space<semaphore_mem>>)
      %slice3A_144 = vector.extract_strided_slice %get3A_38 {offsets = [6], sizes = [1], strides = [1]} : vector<16xi32> to vector<1xi32>
      %squeeze3A_145 = vector.extract %slice3A_144[0] : i32 from vector<1xi32>
      %mul3A_146 = arith.constant 16 : i32
      %mul3A_147 = arith.muli %scan3A_33, %mul3A_146 : i32
      %add3A_148 = arith.constant 6 : i32
      %add3A_149 = arith.addi %mul3A_147, %add3A_148 : i32
      %dma_start3A_150 = arith.constant 0 : i32
      %dma_start3A_151 = tpu.memref_slice %arg8[%add3A_149, %dma_start3A_150] : memref<512x64xi32, #tpu.memory_space<vmem>> -> memref<1x64xi32, #tpu.memory_space<vmem>>
      %dma_start3A_152 = tpu.memref_squeeze %dma_start3A_151 : memref<1x64xi32, #tpu.memory_space<vmem>> -> memref<64xi32, #tpu.memory_space<vmem>>
      %dma_start3A_153 = arith.constant 0 : i32
      %dma_start3A_154 = tpu.memref_slice %arg3[%squeeze3A_145, %dma_start3A_153] : memref<100000x64xi32, #tpu.memory_space<hbm>> -> memref<1x64xi32, #tpu.memory_space<hbm>>
      %dma_start3A_155 = tpu.memref_squeeze %dma_start3A_154 : memref<1x64xi32, #tpu.memory_space<hbm>> -> memref<64xi32, #tpu.memory_space<hbm>>
      %dma_start3A_156 = arith.constant 0 : i32
      %dma_start3A_157 = tpu.memref_slice %arg8[%add3A_149, %dma_start3A_156] : memref<512x64xi32, #tpu.memory_space<vmem>> -> memref<1x64xi32, #tpu.memory_space<vmem>>
      %dma_start3A_158 = tpu.memref_squeeze %dma_start3A_157 : memref<1x64xi32, #tpu.memory_space<vmem>> -> memref<64xi32, #tpu.memory_space<vmem>>
      %dma_start3A_159 = arith.constant 0 : i32
      %dma_start3A_160 = tpu.memref_slice %arg3[%squeeze3A_145, %dma_start3A_159] : memref<100000x64xi32, #tpu.memory_space<hbm>> -> memref<1x64xi32, #tpu.memory_space<hbm>>
      %dma_start3A_161 = tpu.memref_squeeze %dma_start3A_160 : memref<1x64xi32, #tpu.memory_space<hbm>> -> memref<64xi32, #tpu.memory_space<hbm>>
      tpu.enqueue_dma source(%dma_start3A_161 : memref<64xi32, #tpu.memory_space<hbm>>) target(%dma_start3A_158 : memref<64xi32, #tpu.memory_space<vmem>>) target_semaphore(%arg10 : memref<!tpu.dma_semaphore, #tpu.memory_space<semaphore_mem>>)
      %slice3A_162 = vector.extract_strided_slice %get3A_38 {offsets = [7], sizes = [1], strides = [1]} : vector<16xi32> to vector<1xi32>
      %squeeze3A_163 = vector.extract %slice3A_162[0] : i32 from vector<1xi32>
      %mul3A_164 = arith.constant 16 : i32
      %mul3A_165 = arith.muli %scan3A_33, %mul3A_164 : i32
      %add3A_166 = arith.constant 7 : i32
      %add3A_167 = arith.addi %mul3A_165, %add3A_166 : i32
      %dma_start3A_168 = arith.constant 0 : i32
      %dma_start3A_169 = tpu.memref_slice %arg8[%add3A_167, %dma_start3A_168] : memref<512x64xi32, #tpu.memory_space<vmem>> -> memref<1x64xi32, #tpu.memory_space<vmem>>
      %dma_start3A_170 = tpu.memref_squeeze %dma_start3A_169 : memref<1x64xi32, #tpu.memory_space<vmem>> -> memref<64xi32, #tpu.memory_space<vmem>>
      %dma_start3A_171 = arith.constant 0 : i32
      %dma_start3A_172 = tpu.memref_slice %arg3[%squeeze3A_163, %dma_start3A_171] : memref<100000x64xi32, #tpu.memory_space<hbm>> -> memref<1x64xi32, #tpu.memory_space<hbm>>
      %dma_start3A_173 = tpu.memref_squeeze %dma_start3A_172 : memref<1x64xi32, #tpu.memory_space<hbm>> -> memref<64xi32, #tpu.memory_space<hbm>>
      %dma_start3A_174 = arith.constant 0 : i32
      %dma_start3A_175 = tpu.memref_slice %arg8[%add3A_167, %dma_start3A_174] : memref<512x64xi32, #tpu.memory_space<vmem>> -> memref<1x64xi32, #tpu.memory_space<vmem>>
      %dma_start3A_176 = tpu.memref_squeeze %dma_start3A_175 : memref<1x64xi32, #tpu.memory_space<vmem>> -> memref<64xi32, #tpu.memory_space<vmem>>
      %dma_start3A_177 = arith.constant 0 : i32
      %dma_start3A_178 = tpu.memref_slice %arg3[%squeeze3A_163, %dma_start3A_177] : memref<100000x64xi32, #tpu.memory_space<hbm>> -> memref<1x64xi32, #tpu.memory_space<hbm>>
      %dma_start3A_179 = tpu.memref_squeeze %dma_start3A_178 : memref<1x64xi32, #tpu.memory_space<hbm>> -> memref<64xi32, #tpu.memory_space<hbm>>
      tpu.enqueue_dma source(%dma_start3A_179 : memref<64xi32, #tpu.memory_space<hbm>>) target(%dma_start3A_176 : memref<64xi32, #tpu.memory_space<vmem>>) target_semaphore(%arg10 : memref<!tpu.dma_semaphore, #tpu.memory_space<semaphore_mem>>)
      %slice3A_180 = vector.extract_strided_slice %get3A_38 {offsets = [8], sizes = [1], strides = [1]} : vector<16xi32> to vector<1xi32>
      %squeeze3A_181 = vector.extract %slice3A_180[0] : i32 from vector<1xi32>
      %mul3A_182 = arith.constant 16 : i32
      %mul3A_183 = arith.muli %scan3A_33, %mul3A_182 : i32
      %add3A_184 = arith.constant 8 : i32
      %add3A_185 = arith.addi %mul3A_183, %add3A_184 : i32
      %dma_start3A_186 = arith.constant 0 : i32
      %dma_start3A_187 = tpu.memref_slice %arg8[%add3A_185, %dma_start3A_186] : memref<512x64xi32, #tpu.memory_space<vmem>> -> memref<1x64xi32, #tpu.memory_space<vmem>>
      %dma_start3A_188 = tpu.memref_squeeze %dma_start3A_187 : memref<1x64xi32, #tpu.memory_space<vmem>> -> memref<64xi32, #tpu.memory_space<vmem>>
      %dma_start3A_189 = arith.constant 0 : i32
      %dma_start3A_190 = tpu.memref_slice %arg3[%squeeze3A_181, %dma_start3A_189] : memref<100000x64xi32, #tpu.memory_space<hbm>> -> memref<1x64xi32, #tpu.memory_space<hbm>>
      %dma_start3A_191 = tpu.memref_squeeze %dma_start3A_190 : memref<1x64xi32, #tpu.memory_space<hbm>> -> memref<64xi32, #tpu.memory_space<hbm>>
      %dma_start3A_192 = arith.constant 0 : i32
      %dma_start3A_193 = tpu.memref_slice %arg8[%add3A_185, %dma_start3A_192] : memref<512x64xi32, #tpu.memory_space<vmem>> -> memref<1x64xi32, #tpu.memory_space<vmem>>
      %dma_start3A_194 = tpu.memref_squeeze %dma_start3A_193 : memref<1x64xi32, #tpu.memory_space<vmem>> -> memref<64xi32, #tpu.memory_space<vmem>>
      %dma_start3A_195 = arith.constant 0 : i32
      %dma_start3A_196 = tpu.memref_slice %arg3[%squeeze3A_181, %dma_start3A_195] : memref<100000x64xi32, #tpu.memory_space<hbm>> -> memref<1x64xi32, #tpu.memory_space<hbm>>
      %dma_start3A_197 = tpu.memref_squeeze %dma_start3A_196 : memref<1x64xi32, #tpu.memory_space<hbm>> -> memref<64xi32, #tpu.memory_space<hbm>>
      tpu.enqueue_dma source(%dma_start3A_197 : memref<64xi32, #tpu.memory_space<hbm>>) target(%dma_start3A_194 : memref<64xi32, #tpu.memory_space<vmem>>) target_semaphore(%arg10 : memref<!tpu.dma_semaphore, #tpu.memory_space<semaphore_mem>>)
      %slice3A_198 = vector.extract_strided_slice %get3A_38 {offsets = [9], sizes = [1], strides = [1]} : vector<16xi32> to vector<1xi32>
      %squeeze3A_199 = vector.extract %slice3A_198[0] : i32 from vector<1xi32>
      %mul3A_200 = arith.constant 16 : i32
      %mul3A_201 = arith.muli %scan3A_33, %mul3A_200 : i32
      %add3A_202 = arith.constant 9 : i32
      %add3A_203 = arith.addi %mul3A_201, %add3A_202 : i32
      %dma_start3A_204 = arith.constant 0 : i32
      %dma_start3A_205 = tpu.memref_slice %arg8[%add3A_203, %dma_start3A_204] : memref<512x64xi32, #tpu.memory_space<vmem>> -> memref<1x64xi32, #tpu.memory_space<vmem>>
      %dma_start3A_206 = tpu.memref_squeeze %dma_start3A_205 : memref<1x64xi32, #tpu.memory_space<vmem>> -> memref<64xi32, #tpu.memory_space<vmem>>
      %dma_start3A_207 = arith.constant 0 : i32
      %dma_start3A_208 = tpu.memref_slice %arg3[%squeeze3A_199, %dma_start3A_207] : memref<100000x64xi32, #tpu.memory_space<hbm>> -> memref<1x64xi32, #tpu.memory_space<hbm>>
      %dma_start3A_209 = tpu.memref_squeeze %dma_start3A_208 : memref<1x64xi32, #tpu.memory_space<hbm>> -> memref<64xi32, #tpu.memory_space<hbm>>
      %dma_start3A_210 = arith.constant 0 : i32
      %dma_start3A_211 = tpu.memref_slice %arg8[%add3A_203, %dma_start3A_210] : memref<512x64xi32, #tpu.memory_space<vmem>> -> memref<1x64xi32, #tpu.memory_space<vmem>>
      %dma_start3A_212 = tpu.memref_squeeze %dma_start3A_211 : memref<1x64xi32, #tpu.memory_space<vmem>> -> memref<64xi32, #tpu.memory_space<vmem>>
      %dma_start3A_213 = arith.constant 0 : i32
      %dma_start3A_214 = tpu.memref_slice %arg3[%squeeze3A_199, %dma_start3A_213] : memref<100000x64xi32, #tpu.memory_space<hbm>> -> memref<1x64xi32, #tpu.memory_space<hbm>>
      %dma_start3A_215 = tpu.memref_squeeze %dma_start3A_214 : memref<1x64xi32, #tpu.memory_space<hbm>> -> memref<64xi32, #tpu.memory_space<hbm>>
      tpu.enqueue_dma source(%dma_start3A_215 : memref<64xi32, #tpu.memory_space<hbm>>) target(%dma_start3A_212 : memref<64xi32, #tpu.memory_space<vmem>>) target_semaphore(%arg10 : memref<!tpu.dma_semaphore, #tpu.memory_space<semaphore_mem>>)
      %slice3A_216 = vector.extract_strided_slice %get3A_38 {offsets = [10], sizes = [1], strides = [1]} : vector<16xi32> to vector<1xi32>
      %squeeze3A_217 = vector.extract %slice3A_216[0] : i32 from vector<1xi32>
      %mul3A_218 = arith.constant 16 : i32
      %mul3A_219 = arith.muli %scan3A_33, %mul3A_218 : i32
      %add3A_220 = arith.constant 10 : i32
      %add3A_221 = arith.addi %mul3A_219, %add3A_220 : i32
      %dma_start3A_222 = arith.constant 0 : i32
      %dma_start3A_223 = tpu.memref_slice %arg8[%add3A_221, %dma_start3A_222] : memref<512x64xi32, #tpu.memory_space<vmem>> -> memref<1x64xi32, #tpu.memory_space<vmem>>
      %dma_start3A_224 = tpu.memref_squeeze %dma_start3A_223 : memref<1x64xi32, #tpu.memory_space<vmem>> -> memref<64xi32, #tpu.memory_space<vmem>>
      %dma_start3A_225 = arith.constant 0 : i32
      %dma_start3A_226 = tpu.memref_slice %arg3[%squeeze3A_217, %dma_start3A_225] : memref<100000x64xi32, #tpu.memory_space<hbm>> -> memref<1x64xi32, #tpu.memory_space<hbm>>
      %dma_start3A_227 = tpu.memref_squeeze %dma_start3A_226 : memref<1x64xi32, #tpu.memory_space<hbm>> -> memref<64xi32, #tpu.memory_space<hbm>>
      %dma_start3A_228 = arith.constant 0 : i32
      %dma_start3A_229 = tpu.memref_slice %arg8[%add3A_221, %dma_start3A_228] : memref<512x64xi32, #tpu.memory_space<vmem>> -> memref<1x64xi32, #tpu.memory_space<vmem>>
      %dma_start3A_230 = tpu.memref_squeeze %dma_start3A_229 : memref<1x64xi32, #tpu.memory_space<vmem>> -> memref<64xi32, #tpu.memory_space<vmem>>
      %dma_start3A_231 = arith.constant 0 : i32
      %dma_start3A_232 = tpu.memref_slice %arg3[%squeeze3A_217, %dma_start3A_231] : memref<100000x64xi32, #tpu.memory_space<hbm>> -> memref<1x64xi32, #tpu.memory_space<hbm>>
      %dma_start3A_233 = tpu.memref_squeeze %dma_start3A_232 : memref<1x64xi32, #tpu.memory_space<hbm>> -> memref<64xi32, #tpu.memory_space<hbm>>
      tpu.enqueue_dma source(%dma_start3A_233 : memref<64xi32, #tpu.memory_space<hbm>>) target(%dma_start3A_230 : memref<64xi32, #tpu.memory_space<vmem>>) target_semaphore(%arg10 : memref<!tpu.dma_semaphore, #tpu.memory_space<semaphore_mem>>)
      %slice3A_234 = vector.extract_strided_slice %get3A_38 {offsets = [11], sizes = [1], strides = [1]} : vector<16xi32> to vector<1xi32>
      %squeeze3A_235 = vector.extract %slice3A_234[0] : i32 from vector<1xi32>
      %mul3A_236 = arith.constant 16 : i32
      %mul3A_237 = arith.muli %scan3A_33, %mul3A_236 : i32
      %add3A_238 = arith.constant 11 : i32
      %add3A_239 = arith.addi %mul3A_237, %add3A_238 : i32
      %dma_start3A_240 = arith.constant 0 : i32
      %dma_start3A_241 = tpu.memref_slice %arg8[%add3A_239, %dma_start3A_240] : memref<512x64xi32, #tpu.memory_space<vmem>> -> memref<1x64xi32, #tpu.memory_space<vmem>>
      %dma_start3A_242 = tpu.memref_squeeze %dma_start3A_241 : memref<1x64xi32, #tpu.memory_space<vmem>> -> memref<64xi32, #tpu.memory_space<vmem>>
      %dma_start3A_243 = arith.constant 0 : i32
      %dma_start3A_244 = tpu.memref_slice %arg3[%squeeze3A_235, %dma_start3A_243] : memref<100000x64xi32, #tpu.memory_space<hbm>> -> memref<1x64xi32, #tpu.memory_space<hbm>>
      %dma_start3A_245 = tpu.memref_squeeze %dma_start3A_244 : memref<1x64xi32, #tpu.memory_space<hbm>> -> memref<64xi32, #tpu.memory_space<hbm>>
      %dma_start3A_246 = arith.constant 0 : i32
      %dma_start3A_247 = tpu.memref_slice %arg8[%add3A_239, %dma_start3A_246] : memref<512x64xi32, #tpu.memory_space<vmem>> -> memref<1x64xi32, #tpu.memory_space<vmem>>
      %dma_start3A_248 = tpu.memref_squeeze %dma_start3A_247 : memref<1x64xi32, #tpu.memory_space<vmem>> -> memref<64xi32, #tpu.memory_space<vmem>>
      %dma_start3A_249 = arith.constant 0 : i32
      %dma_start3A_250 = tpu.memref_slice %arg3[%squeeze3A_235, %dma_start3A_249] : memref<100000x64xi32, #tpu.memory_space<hbm>> -> memref<1x64xi32, #tpu.memory_space<hbm>>
      %dma_start3A_251 = tpu.memref_squeeze %dma_start3A_250 : memref<1x64xi32, #tpu.memory_space<hbm>> -> memref<64xi32, #tpu.memory_space<hbm>>
      tpu.enqueue_dma source(%dma_start3A_251 : memref<64xi32, #tpu.memory_space<hbm>>) target(%dma_start3A_248 : memref<64xi32, #tpu.memory_space<vmem>>) target_semaphore(%arg10 : memref<!tpu.dma_semaphore, #tpu.memory_space<semaphore_mem>>)
      %slice3A_252 = vector.extract_strided_slice %get3A_38 {offsets = [12], sizes = [1], strides = [1]} : vector<16xi32> to vector<1xi32>
      %squeeze3A_253 = vector.extract %slice3A_252[0] : i32 from vector<1xi32>
      %mul3A_254 = arith.constant 16 : i32
      %mul3A_255 = arith.muli %scan3A_33, %mul3A_254 : i32
      %add3A_256 = arith.constant 12 : i32
      %add3A_257 = arith.addi %mul3A_255, %add3A_256 : i32
      %dma_start3A_258 = arith.constant 0 : i32
      %dma_start3A_259 = tpu.memref_slice %arg8[%add3A_257, %dma_start3A_258] : memref<512x64xi32, #tpu.memory_space<vmem>> -> memref<1x64xi32, #tpu.memory_space<vmem>>
      %dma_start3A_260 = tpu.memref_squeeze %dma_start3A_259 : memref<1x64xi32, #tpu.memory_space<vmem>> -> memref<64xi32, #tpu.memory_space<vmem>>
      %dma_start3A_261 = arith.constant 0 : i32
      %dma_start3A_262 = tpu.memref_slice %arg3[%squeeze3A_253, %dma_start3A_261] : memref<100000x64xi32, #tpu.memory_space<hbm>> -> memref<1x64xi32, #tpu.memory_space<hbm>>
      %dma_start3A_263 = tpu.memref_squeeze %dma_start3A_262 : memref<1x64xi32, #tpu.memory_space<hbm>> -> memref<64xi32, #tpu.memory_space<hbm>>
      %dma_start3A_264 = arith.constant 0 : i32
      %dma_start3A_265 = tpu.memref_slice %arg8[%add3A_257, %dma_start3A_264] : memref<512x64xi32, #tpu.memory_space<vmem>> -> memref<1x64xi32, #tpu.memory_space<vmem>>
      %dma_start3A_266 = tpu.memref_squeeze %dma_start3A_265 : memref<1x64xi32, #tpu.memory_space<vmem>> -> memref<64xi32, #tpu.memory_space<vmem>>
      %dma_start3A_267 = arith.constant 0 : i32
      %dma_start3A_268 = tpu.memref_slice %arg3[%squeeze3A_253, %dma_start3A_267] : memref<100000x64xi32, #tpu.memory_space<hbm>> -> memref<1x64xi32, #tpu.memory_space<hbm>>
      %dma_start3A_269 = tpu.memref_squeeze %dma_start3A_268 : memref<1x64xi32, #tpu.memory_space<hbm>> -> memref<64xi32, #tpu.memory_space<hbm>>
      tpu.enqueue_dma source(%dma_start3A_269 : memref<64xi32, #tpu.memory_space<hbm>>) target(%dma_start3A_266 : memref<64xi32, #tpu.memory_space<vmem>>) target_semaphore(%arg10 : memref<!tpu.dma_semaphore, #tpu.memory_space<semaphore_mem>>)
      %slice3A_270 = vector.extract_strided_slice %get3A_38 {offsets = [13], sizes = [1], strides = [1]} : vector<16xi32> to vector<1xi32>
      %squeeze3A_271 = vector.extract %slice3A_270[0] : i32 from vector<1xi32>
      %mul3A_272 = arith.constant 16 : i32
      %mul3A_273 = arith.muli %scan3A_33, %mul3A_272 : i32
      %add3A_274 = arith.constant 13 : i32
      %add3A_275 = arith.addi %mul3A_273, %add3A_274 : i32
      %dma_start3A_276 = arith.constant 0 : i32
      %dma_start3A_277 = tpu.memref_slice %arg8[%add3A_275, %dma_start3A_276] : memref<512x64xi32, #tpu.memory_space<vmem>> -> memref<1x64xi32, #tpu.memory_space<vmem>>
      %dma_start3A_278 = tpu.memref_squeeze %dma_start3A_277 : memref<1x64xi32, #tpu.memory_space<vmem>> -> memref<64xi32, #tpu.memory_space<vmem>>
      %dma_start3A_279 = arith.constant 0 : i32
      %dma_start3A_280 = tpu.memref_slice %arg3[%squeeze3A_271, %dma_start3A_279] : memref<100000x64xi32, #tpu.memory_space<hbm>> -> memref<1x64xi32, #tpu.memory_space<hbm>>
      %dma_start3A_281 = tpu.memref_squeeze %dma_start3A_280 : memref<1x64xi32, #tpu.memory_space<hbm>> -> memref<64xi32, #tpu.memory_space<hbm>>
      %dma_start3A_282 = arith.constant 0 : i32
      %dma_start3A_283 = tpu.memref_slice %arg8[%add3A_275, %dma_start3A_282] : memref<512x64xi32, #tpu.memory_space<vmem>> -> memref<1x64xi32, #tpu.memory_space<vmem>>
      %dma_start3A_284 = tpu.memref_squeeze %dma_start3A_283 : memref<1x64xi32, #tpu.memory_space<vmem>> -> memref<64xi32, #tpu.memory_space<vmem>>
      %dma_start3A_285 = arith.constant 0 : i32
      %dma_start3A_286 = tpu.memref_slice %arg3[%squeeze3A_271, %dma_start3A_285] : memref<100000x64xi32, #tpu.memory_space<hbm>> -> memref<1x64xi32, #tpu.memory_space<hbm>>
      %dma_start3A_287 = tpu.memref_squeeze %dma_start3A_286 : memref<1x64xi32, #tpu.memory_space<hbm>> -> memref<64xi32, #tpu.memory_space<hbm>>
      tpu.enqueue_dma source(%dma_start3A_287 : memref<64xi32, #tpu.memory_space<hbm>>) target(%dma_start3A_284 : memref<64xi32, #tpu.memory_space<vmem>>) target_semaphore(%arg10 : memref<!tpu.dma_semaphore, #tpu.memory_space<semaphore_mem>>)
      %slice3A_288 = vector.extract_strided_slice %get3A_38 {offsets = [14], sizes = [1], strides = [1]} : vector<16xi32> to vector<1xi32>
      %squeeze3A_289 = vector.extract %slice3A_288[0] : i32 from vector<1xi32>
      %mul3A_290 = arith.constant 16 : i32
      %mul3A_291 = arith.muli %scan3A_33, %mul3A_290 : i32
      %add3A_292 = arith.constant 14 : i32
      %add3A_293 = arith.addi %mul3A_291, %add3A_292 : i32
      %dma_start3A_294 = arith.constant 0 : i32
      %dma_start3A_295 = tpu.memref_slice %arg8[%add3A_293, %dma_start3A_294] : memref<512x64xi32, #tpu.memory_space<vmem>> -> memref<1x64xi32, #tpu.memory_space<vmem>>
      %dma_start3A_296 = tpu.memref_squeeze %dma_start3A_295 : memref<1x64xi32, #tpu.memory_space<vmem>> -> memref<64xi32, #tpu.memory_space<vmem>>
      %dma_start3A_297 = arith.constant 0 : i32
      %dma_start3A_298 = tpu.memref_slice %arg3[%squeeze3A_289, %dma_start3A_297] : memref<100000x64xi32, #tpu.memory_space<hbm>> -> memref<1x64xi32, #tpu.memory_space<hbm>>
      %dma_start3A_299 = tpu.memref_squeeze %dma_start3A_298 : memref<1x64xi32, #tpu.memory_space<hbm>> -> memref<64xi32, #tpu.memory_space<hbm>>
      %dma_start3A_300 = arith.constant 0 : i32
      %dma_start3A_301 = tpu.memref_slice %arg8[%add3A_293, %dma_start3A_300] : memref<512x64xi32, #tpu.memory_space<vmem>> -> memref<1x64xi32, #tpu.memory_space<vmem>>
      %dma_start3A_302 = tpu.memref_squeeze %dma_start3A_301 : memref<1x64xi32, #tpu.memory_space<vmem>> -> memref<64xi32, #tpu.memory_space<vmem>>
      %dma_start3A_303 = arith.constant 0 : i32
      %dma_start3A_304 = tpu.memref_slice %arg3[%squeeze3A_289, %dma_start3A_303] : memref<100000x64xi32, #tpu.memory_space<hbm>> -> memref<1x64xi32, #tpu.memory_space<hbm>>
      %dma_start3A_305 = tpu.memref_squeeze %dma_start3A_304 : memref<1x64xi32, #tpu.memory_space<hbm>> -> memref<64xi32, #tpu.memory_space<hbm>>
      tpu.enqueue_dma source(%dma_start3A_305 : memref<64xi32, #tpu.memory_space<hbm>>) target(%dma_start3A_302 : memref<64xi32, #tpu.memory_space<vmem>>) target_semaphore(%arg10 : memref<!tpu.dma_semaphore, #tpu.memory_space<semaphore_mem>>)
      %slice3A_306 = vector.extract_strided_slice %get3A_38 {offsets = [15], sizes = [1], strides = [1]} : vector<16xi32> to vector<1xi32>
      %squeeze3A_307 = vector.extract %slice3A_306[0] : i32 from vector<1xi32>
      %mul3A_308 = arith.constant 16 : i32
      %mul3A_309 = arith.muli %scan3A_33, %mul3A_308 : i32
      %add3A_310 = arith.constant 15 : i32
      %add3A_311 = arith.addi %mul3A_309, %add3A_310 : i32
      %dma_start3A_312 = arith.constant 0 : i32
      %dma_start3A_313 = tpu.memref_slice %arg8[%add3A_311, %dma_start3A_312] : memref<512x64xi32, #tpu.memory_space<vmem>> -> memref<1x64xi32, #tpu.memory_space<vmem>>
      %dma_start3A_314 = tpu.memref_squeeze %dma_start3A_313 : memref<1x64xi32, #tpu.memory_space<vmem>> -> memref<64xi32, #tpu.memory_space<vmem>>
      %dma_start3A_315 = arith.constant 0 : i32
      %dma_start3A_316 = tpu.memref_slice %arg3[%squeeze3A_307, %dma_start3A_315] : memref<100000x64xi32, #tpu.memory_space<hbm>> -> memref<1x64xi32, #tpu.memory_space<hbm>>
      %dma_start3A_317 = tpu.memref_squeeze %dma_start3A_316 : memref<1x64xi32, #tpu.memory_space<hbm>> -> memref<64xi32, #tpu.memory_space<hbm>>
      %dma_start3A_318 = arith.constant 0 : i32
      %dma_start3A_319 = tpu.memref_slice %arg8[%add3A_311, %dma_start3A_318] : memref<512x64xi32, #tpu.memory_space<vmem>> -> memref<1x64xi32, #tpu.memory_space<vmem>>
      %dma_start3A_320 = tpu.memref_squeeze %dma_start3A_319 : memref<1x64xi32, #tpu.memory_space<vmem>> -> memref<64xi32, #tpu.memory_space<vmem>>
      %dma_start3A_321 = arith.constant 0 : i32
      %dma_start3A_322 = tpu.memref_slice %arg3[%squeeze3A_307, %dma_start3A_321] : memref<100000x64xi32, #tpu.memory_space<hbm>> -> memref<1x64xi32, #tpu.memory_space<hbm>>
      %dma_start3A_323 = tpu.memref_squeeze %dma_start3A_322 : memref<1x64xi32, #tpu.memory_space<hbm>> -> memref<64xi32, #tpu.memory_space<hbm>>
      tpu.enqueue_dma source(%dma_start3A_323 : memref<64xi32, #tpu.memory_space<hbm>>) target(%dma_start3A_320 : memref<64xi32, #tpu.memory_space<vmem>>) target_semaphore(%arg10 : memref<!tpu.dma_semaphore, #tpu.memory_space<semaphore_mem>>)
    }
    %scan3A_7 = arith.constant 32 : i32
    %dma_wait3A = arith.constant 0 : i32
    %dma_wait3A_8 = arith.constant 0 : i32
    %dma_wait3A_9 = tpu.memref_slice %arg3[%dma_wait3A, %dma_wait3A_8] : memref<100000x64xi32, #tpu.memory_space<hbm>> -> memref<512x64xi32, #tpu.memory_space<hbm>>
    %dma_wait3A_10 = arith.constant 0 : i32
    %dma_wait3A_11 = arith.constant 0 : i32
    %dma_wait3A_12 = tpu.memref_slice %arg3[%dma_wait3A_10, %dma_wait3A_11] : memref<100000x64xi32, #tpu.memory_space<hbm>> -> memref<512x64xi32, #tpu.memory_space<hbm>>
    tpu.wait_dma2 semaphore(%arg10 : memref<!tpu.dma_semaphore, #tpu.memory_space<semaphore_mem>>) src(%dma_wait3A_12 : memref<512x64xi32, #tpu.memory_space<hbm>>) dst(%arg8 : memref<512x64xi32, #tpu.memory_space<vmem>>)
    %get3A = arith.constant 0 : index
    %get3A_13 = tpu.vector_load %arg7[%get3A] {strides = array<i32>} : memref<16xi32, #tpu.memory_space<vmem>>, vector<16xi32>,
    %get3A_14 = vector.shape_cast %get3A_13 : vector<16xi32> to vector<16xi32>
    %and3A = arith.constant 15 : i32
    %and3A_15 = vector.broadcast %and3A : i32 to vector<16xi32>
    %and3A_16 = arith.andi %get3A_14, %and3A_15 : vector<16xi32>
    %lt3A = arith.constant 16 : i32
    %lt3A_17 = vector.broadcast %lt3A : i32 to vector<16xi32>
    %lt3A_18 = arith.cmpi slt, %get3A_14, %lt3A_17 : vector<16xi32>
    %lt3A_19 = arith.constant 32 : i32
    %lt3A_20 = vector.broadcast %lt3A_19 : i32 to vector<16xi32>
    %lt3A_21 = arith.cmpi slt, %get3A_14, %lt3A_20 : vector<16xi32>
    %lt3A_22 = arith.constant 48 : i32
    %lt3A_23 = vector.broadcast %lt3A_22 : i32 to vector<16xi32>
    %lt3A_24 = arith.cmpi slt, %get3A_14, %lt3A_23 : vector<16xi32>
    %scan3A_25 = arith.constant 0 : i32
    %scan3A_26 = arith.constant 0 : i32
    %scan3A_27 = arith.constant 512 : i32
    %scan3A_28 = arith.addi %scan3A_26, %scan3A_27 : i32
    %scan3A_29 = arith.constant 1 : i32
    scf.for %scan3A_33 = %scan3A_26 to %scan3A_28 step %scan3A_29  : i32 {
      %get3A_34 = arith.index_cast %scan3A_33 : i32 to index
      %get3A_35 = arith.constant 0 : index
      %get3A_36 = tpu.vector_load %arg8[%get3A_34, %get3A_35] {strides = array<i32>} : memref<512x64xi32, #tpu.memory_space<vmem>>, vector<1x16xi32>,
      %get3A_37 = vector.shape_cast %get3A_36 : vector<1x16xi32> to vector<16xi32>
      %get3A_38 = arith.index_cast %scan3A_33 : i32 to index
      %get3A_39 = arith.constant 16 : index
      %get3A_40 = tpu.vector_load %arg8[%get3A_38, %get3A_39] {strides = array<i32>} : memref<512x64xi32, #tpu.memory_space<vmem>>, vector<1x16xi32>,
      %get3A_41 = vector.shape_cast %get3A_40 : vector<1x16xi32> to vector<16xi32>
      %get3A_42 = arith.index_cast %scan3A_33 : i32 to index
      %get3A_43 = arith.constant 32 : index
      %get3A_44 = tpu.vector_load %arg8[%get3A_42, %get3A_43] {strides = array<i32>} : memref<512x64xi32, #tpu.memory_space<vmem>>, vector<1x16xi32>,
      %get3A_45 = vector.shape_cast %get3A_44 : vector<1x16xi32> to vector<16xi32>
      %get3A_46 = arith.index_cast %scan3A_33 : i32 to index
      %get3A_47 = arith.constant 48 : index
      %get3A_48 = tpu.vector_load %arg8[%get3A_46, %get3A_47] {strides = array<i32>} : memref<512x64xi32, #tpu.memory_space<vmem>>, vector<1x16xi32>,
      %get3A_49 = vector.shape_cast %get3A_48 : vector<1x16xi32> to vector<16xi32>
      %lt3A_50 = arith.constant 0 : i32
      %lt3A_51 = vector.broadcast %lt3A_50 : i32 to vector<16xi32>
      %lt3A_52 = arith.cmpi slt, %and3A_16, %lt3A_51 : vector<16xi32>
      %add3A_53 = arith.constant 16 : i32
      %add3A_54 = vector.broadcast %add3A_53 : i32 to vector<16xi32>
      %add3A_55 = arith.addi %and3A_16, %add3A_54 : vector<16xi32>
      %select_n3A = arith.select %lt3A_52, %add3A_55, %and3A_16 : vector<16xi1>, vector<16xi32>
      %broadcast_in_dim3A = vector.shape_cast %select_n3A : vector<16xi32> to vector<16x1xi32>
      %gather3A = vector.shape_cast %broadcast_in_dim3A : vector<16x1xi32> to vector<16xi32>
      %gather3A_56 = tpu.dynamic_gather %get3A_37[%gather3A] in [0] : vector<16xi32>, vector<16xi32> -> vector<16xi32>
      %lt3A_57 = arith.constant 0 : i32
      %lt3A_58 = vector.broadcast %lt3A_57 : i32 to vector<16xi32>
      %lt3A_59 = arith.cmpi slt, %and3A_16, %lt3A_58 : vector<16xi32>
      %add3A_60 = arith.constant 16 : i32
      %add3A_61 = vector.broadcast %add3A_60 : i32 to vector<16xi32>
      %add3A_62 = arith.addi %and3A_16, %add3A_61 : vector<16xi32>
      %select_n3A_63 = arith.select %lt3A_59, %add3A_62, %and3A_16 : vector<16xi1>, vector<16xi32>
      %broadcast_in_dim3A_64 = vector.shape_cast %select_n3A_63 : vector<16xi32> to vector<16x1xi32>
      %gather3A_65 = vector.shape_cast %broadcast_in_dim3A_64 : vector<16x1xi32> to vector<16xi32>
      %gather3A_66 = tpu.dynamic_gather %get3A_41[%gather3A_65] in [0] : vector<16xi32>, vector<16xi32> -> vector<16xi32>
      %lt3A_67 = arith.constant 0 : i32
      %lt3A_68 = vector.broadcast %lt3A_67 : i32 to vector<16xi32>
      %lt3A_69 = arith.cmpi slt, %and3A_16, %lt3A_68 : vector<16xi32>
      %add3A_70 = arith.constant 16 : i32
      %add3A_71 = vector.broadcast %add3A_70 : i32 to vector<16xi32>
      %add3A_72 = arith.addi %and3A_16, %add3A_71 : vector<16xi32>
      %select_n3A_73 = arith.select %lt3A_69, %add3A_72, %and3A_16 : vector<16xi1>, vector<16xi32>
      %broadcast_in_dim3A_74 = vector.shape_cast %select_n3A_73 : vector<16xi32> to vector<16x1xi32>
      %gather3A_75 = vector.shape_cast %broadcast_in_dim3A_74 : vector<16x1xi32> to vector<16xi32>
      %gather3A_76 = tpu.dynamic_gather %get3A_45[%gather3A_75] in [0] : vector<16xi32>, vector<16xi32> -> vector<16xi32>
      %lt3A_77 = arith.constant 0 : i32
      %lt3A_78 = vector.broadcast %lt3A_77 : i32 to vector<16xi32>
      %lt3A_79 = arith.cmpi slt, %and3A_16, %lt3A_78 : vector<16xi32>
      %add3A_80 = arith.constant 16 : i32
      %add3A_81 = vector.broadcast %add3A_80 : i32 to vector<16xi32>
      %add3A_82 = arith.addi %and3A_16, %add3A_81 : vector<16xi32>
      %select_n3A_83 = arith.select %lt3A_79, %add3A_82, %and3A_16 : vector<16xi1>, vector<16xi32>
      %broadcast_in_dim3A_84 = vector.shape_cast %select_n3A_83 : vector<16xi32> to vector<16x1xi32>
      %gather3A_85 = vector.shape_cast %broadcast_in_dim3A_84 : vector<16x1xi32> to vector<16xi32>
      %gather3A_86 = tpu.dynamic_gather %get3A_49[%gather3A_85] in [0] : vector<16xi32>, vector<16xi32> -> vector<16xi32>
      %select_n3A_87 = arith.select %lt3A_18, %gather3A_56, %gather3A_66 : vector<16xi1>, vector<16xi32>
      %select_n3A_88 = arith.select %lt3A_24, %gather3A_76, %gather3A_86 : vector<16xi1>, vector<16xi32>
      %select_n3A_89 = arith.select %lt3A_21, %select_n3A_87, %select_n3A_88 : vector<16xi1>, vector<16xi32>
      %mul3A_90 = arith.constant 16 : i32
      %mul3A_91 = arith.muli %scan3A_33, %mul3A_90 : i32
      %swap3A = arith.index_cast %mul3A_91 : i32 to index
      %swap3A_92 = tpu.vector_load %arg9[%swap3A] {strides = array<i32>} : memref<8192xi32, #tpu.memory_space<vmem>>, vector<16xi32>,
      %swap3A_93 = vector.shape_cast %swap3A_92 : vector<16xi32> to vector<16xi32>
      %swap3A_94 = vector.shape_cast %select_n3A_89 : vector<16xi32> to vector<16xi32>
      tpu.vector_store %arg9[%swap3A], %swap3A_94 {strides = array<i32>} : memref<8192xi32, #tpu.memory_space<vmem>>, vector<16xi32>,
    }
    %scan3A_30 = arith.constant 512 : i32
    %mul3A_31 = arith.constant 16 : i32
    %mul3A_32 = arith.muli %mul3A_2, %mul3A_31 : i32
    "tpu.region"() ({
      %run_scoped3A = tpu.sem_alloc : memref<!tpu.dma_semaphore, #tpu.memory_space<semaphore_mem>>
      %dma_start3A = tpu.memref_slice %arg5[%mul3A_32] : memref<262144xi32, #tpu.memory_space<hbm>> -> memref<8192xi32, #tpu.memory_space<hbm>>
      %dma_start3A_33 = tpu.memref_slice %arg5[%mul3A_32] : memref<262144xi32, #tpu.memory_space<hbm>> -> memref<8192xi32, #tpu.memory_space<hbm>>
      tpu.enqueue_dma source(%arg9 : memref<8192xi32, #tpu.memory_space<vmem>>) target(%dma_start3A_33 : memref<8192xi32, #tpu.memory_space<hbm>>) target_semaphore(%run_scoped3A : memref<!tpu.dma_semaphore, #tpu.memory_space<semaphore_mem>>)
      %dma_wait3A_34 = tpu.memref_slice %arg5[%mul3A_32] : memref<262144xi32, #tpu.memory_space<hbm>> -> memref<8192xi32, #tpu.memory_space<hbm>>
      %dma_wait3A_35 = tpu.memref_slice %arg5[%mul3A_32] : memref<262144xi32, #tpu.memory_space<hbm>> -> memref<8192xi32, #tpu.memory_space<hbm>>
      tpu.wait_dma2 semaphore(%run_scoped3A : memref<!tpu.dma_semaphore, #tpu.memory_space<semaphore_mem>>) src(%arg9 : memref<8192xi32, #tpu.memory_space<vmem>>) dst(%dma_wait3A_35 : memref<8192xi32, #tpu.memory_space<hbm>>)
      tpu.yield
    }) : () -> ()
    return
  }
}

</mosaic_0001>

<sc_bundles>
// kernel: kernel.3.cloned.1.call-start
scs
__scs_entry_jumppad:
0x0: {  	(pc) =	sbr.rel $0x88, $3  }
0x1: {  	(tag) =	ssettag $0x0;
	lr =	simm.s32 $0x1  }
0x2: {  	[smem:$0x3F9E] =	sst lr;
	_ =	strace $0xD0000000  }
0x3: {  	_ = 	snop  }
0x4: {  	_ = 	snop  }
0x5: {  	_ = 	snop  }
0x6: {  	_ = 	snop  }
0x7: {  	_ = 	snop  }
__scs_overlays_trampoline_lowered:
0x8: {  	[smem:$0x3FAD] =	sst s0  }
0x9: {  	[smem:$0x3FAE] =	sst s1  }
0xa: {  	[smem:$0x3FAF] =	sst s2  }
0xb: {  	[smem:$0x3FB0] =	sst s3  }
0xc: {  	[smem:$0x3FB1] =	sst s4  }
0xd: {  	[smem:$0x3FB2] =	sst s5  }
0xe: {  	[smem:$0x3FB3] =	sst s6  }
0xf: {  	[smem:$0x3FB4] =	sst s7  }
0x10: {  	[smem:$0x3FB5] =	sst s8  }
0x11: {  	[smem:$0x3FB6] =	sst s9;
	s0 =	simm.s32 @!p0 $0x0  }
0x12: {  	s1 =	sld [smem:$0x3F9C];
	s0 =	simm.s32 @p0 $0x1  }
0x13: {  	[smem:$0x3FB7] =	sst s0;
	s0 =	simm.s32 @!p1 $0x0  }
0x14: {  	s2 =	sld [smem:$0x3F9B];
	s0 =	simm.s32 @p1 $0x1  }
0x15: {  	[smem:$0x3FB8] =	sst s0;
	s0 =	simm.s32 @!p2 $0x0  }
0x16: {  	s3 =	sld [smem:$0x3FDB];
	s0 =	simm.s32 @p2 $0x1  }
0x17: {  	s4 =	simm.s32 $0x1BF5;
	[smem:$0x3FBA] =	sst s0  }
0x18: {  	s0 =	sld [smem:$0x3F9D];
	_ =	swait.ge [sflag:s4], $0x0  }
0x19: {  	s7 =	sld [smem:$0x3F9E]  }
0x1a: {  	s8 =	sadd.s32 $0xFFFFE003, lr  }
0x1b: {  	s9 =	sadd.s32 $0xFFFFFEF7, lr;
	s5 =	simm.s32 $0xFFFFFFFF;
	p2 =	slt.u32 s8, $0xFFFFF086  }
0x1c: {  	p1 =	slt.u32 s9, $0xF7A;
	s5 =	simm.s32 @!p2 $0x0  }
0x1d: {  	s5 =	simm.s32 @p1 $0x1;
	p0 =	seq.s32 s7, s2  }
0x1e: {  	s7 =	smul.u32 @!p0 $0xF7A, s2;
	p2 =	seq.s32 @!p0 s5, $0x0  }
0x1f: {  	s9 =	smul.u32 $0xF7A, s1;
	s8 =	simm.s32 @!p0 $0x1BF5;
	p2 =	por !p2, p0  }
0x20: {  	[sflag:s8] =	ssyncset.s32 @!p0 $0xFFFFF086;
	s6 =	sadd.s32 @!p0 s3, s7;
	s7 =	simm.s32 @!p0 $0x108  }
0x21: {  	s3 =	sadd.s32 s3, s9;
	s6 =	sadd.s32 @!p0 $0x88, s6;
	s7 =	simm.s32 @p2 $0x1082  }
0x22: {  	[simem:s7], [sflag:s8] =	dma.local @!p0 [hbm:s6], $0xF7A  }
0x23: {  	s9 =	sor.u32 $0xD0000000, s2;
	s6 =	simm.s32 $0x108;
	_ =	swait.ge @!p0 [sflag:s8], $0x0  }
0x24: {  	s3 =	sadd.s32 $0x88, s3;
	s6 =	simm.s32 @!p1 $0x1082;
	[sflag:s4] =	ssyncset.s32 $0xFFFFF086  }
0x25: {  	[simem:s6], [sflag:s4] =	dma.local [hbm:s3], $0xF7A  }
0x26: {  	[smem:$0x3F9E] =	sst s1;
	(tag) =	ssettag s2;
	_ =	strace s9  }
0x27: {  	s1 =	sld [smem:$0x3FAE]  }
0x28: {  	s2 =	sld [smem:$0x3FAF]  }
0x29: {  	s4 =	sld [smem:$0x3FB1]  }
0x2a: {  	p0 =	seq.s32 s5, $0x0;
	s5 =	sld [smem:$0x3FB2]  }
0x2b: {  	s6 =	sld [smem:$0x3FB3]  }
0x2c: {  	s7 =	sld [smem:$0x3FB4]  }
0x2d: {  	s3 =	simm.s32 $0x108;
	s8 =	sld [smem:$0x3FB5]  }
0x2e: {  	s3 =	simm.s32 @!p0 $0x1082;
	s9 =	sld [smem:$0x3FB6]  }
0x2f: {  	lr =	sadd.s32 s0, s3;
	s0 =	sld [smem:$0x3FAD]  }
0x30: {  	s3 =	sld [smem:$0x3FB0]  }
0x31: {  	[smem:$0x3FB9] =	sst s10  }
0x32: {  	s10 =	sld [smem:$0x3FB7];
	_ =	sdelay $0x3  }
0x33: {  	p0 =	seq.s32 s10, $0x1;
	s10 =	sld [smem:$0x3FB9];
	_ =	sdelay $0x3  }
0x34: {  	[smem:$0x3FB9] =	sst s10  }
0x35: {  	s10 =	sld [smem:$0x3FB8];
	_ =	sdelay $0x3  }
0x36: {  	p1 =	seq.s32 s10, $0x1;
	s10 =	sld [smem:$0x3FB9];
	_ =	sdelay $0x3  }
0x37: {  	[smem:$0x3FB9] =	sst s10  }
0x38: {  	s10 =	sld [smem:$0x3FBA]  }
0x39: {  	_ = 	snop;
	(pc) =	sbr.ind lr, $3  }
0x3a: {  	_ = 	snop  }
0x3b: {  	_ = 	snop  }
0x3c: {  	p2 =	seq.s32 s10, $0x1;
	s10 =	sld [smem:$0x3FB9]  }
0x3d: {  	_ =	shalt  }
0x3e: {  	_ =	shalt  }
0x3f: {  	_ =	shalt  }
0x40: {  	_ =	shalt  }
0x41: {  	_ =	shalt  }
0x42: {  	_ =	shalt  }
0x43: {  	_ =	shalt  }
0x44: {  	_ =	shalt  }
0x45: {  	_ =	shalt  }
0x46: {  	_ =	shalt  }
0x47: {  	_ =	shalt  }
0x48: {  	_ =	shalt  }
0x49: {  	_ =	shalt  }
0x4a: {  	_ =	shalt  }
0x4b: {  	_ =	shalt  }
0x4c: {  	_ =	shalt  }
0x4d: {  	_ =	shalt  }
0x4e: {  	_ =	shalt  }
0x4f: {  	_ =	shalt  }
0x50: {  	_ =	shalt  }
0x51: {  	_ =	shalt  }
0x52: {  	_ =	shalt  }
0x53: {  	_ =	shalt  }
0x54: {  	_ =	shalt  }
0x55: {  	_ =	shalt  }
0x56: {  	_ =	shalt  }
0x57: {  	_ =	shalt  }
0x58: {  	_ =	shalt  }
0x59: {  	_ =	shalt  }
0x5a: {  	_ =	shalt  }
0x5b: {  	_ =	shalt  }
0x5c: {  	_ =	shalt  }
0x5d: {  	_ =	shalt  }
0x5e: {  	_ =	shalt  }
0x5f: {  	_ =	shalt  }
0x60: {  	_ =	shalt  }
0x61: {  	_ =	shalt  }
0x62: {  	_ =	shalt  }
0x63: {  	_ =	shalt  }
0x64: {  	_ =	shalt  }
0x65: {  	_ =	shalt  }
0x66: {  	_ =	shalt  }
0x67: {  	_ =	shalt  }
0x68: {  	_ =	shalt  }
0x69: {  	_ =	shalt  }
0x6a: {  	_ =	shalt  }
0x6b: {  	_ =	shalt  }
0x6c: {  	_ =	shalt  }
0x6d: {  	_ =	shalt  }
0x6e: {  	_ =	shalt  }
0x6f: {  	_ =	shalt  }
0x70: {  	_ =	shalt  }
0x71: {  	_ =	shalt  }
0x72: {  	_ =	shalt  }
0x73: {  	_ =	shalt  }
0x74: {  	_ =	shalt  }
0x75: {  	_ =	shalt  }
0x76: {  	_ =	shalt  }
0x77: {  	_ =	shalt  }
0x78: {  	_ =	shalt  }
0x79: {  	_ =	shalt  }
0x7a: {  	_ =	shalt  }
0x7b: {  	_ =	shalt  }
0x7c: {  	_ =	shalt  }
0x7d: {  	_ =	shalt  }
0x7e: {  	_ =	shalt  }
0x7f: {  	_ =	shalt  }
0x80: {  	_ =	shalt  }
0x81: {  	_ =	shalt  }
0x82: {  	_ =	shalt  }
0x83: {  	_ =	shalt  }
0x84: {  	_ =	shalt  }
0x85: {  	_ =	shalt  }
0x86: {  	_ =	shalt  }
0x87: {  	_ =	shalt  }
.Lfunc_end0:
.L_simem_size_0:
called_computation_lowered:
.L_overlay_start_0:
0x88: {  	s2 =	sld [smem:$0x3FD9]  }
0x89: {  	s3 =	sld [smem:$0x3FFE];
	_ =	sdelay $0x1  }
0x8a: {  	s1 =	srdreg.scid  }
0x8b: {  	s0 =	sand.u32 $0x1, s1  }
0x8c: {  	s17 =	sshll.u32 s0, $0xA;
	s2 =	sadd.s32 s3, s2  }
0x8d: {  	s2 =	sadd.s32 s2, s17  }
0x8e: {  	[smem:$0x3FC5] =	sst s2  }
0x8f: {  	_ = 	snop  }
0x90: {  	s2 =	sld [smem:$0x3FC9]  }
0x91: {  	s18 =	sld [smem:$0x3FD0];
	(tm) =	ssettm $0x1  }
0x92: {  	s4 =	sld [smem:$0x3FFB];
	_ =	sdelay $0x3  }
0x93: {  	_ =	strace s4  }
0x94: {  	s4 =	sld [smem:$0x3FFC];
	_ =	sdelay $0x3  }
0x95: {  	_ =	strace s4  }
0x96: {  	s4 =	sld [smem:$0x3FFD];
	_ =	sdelay $0x3  }
0x97: {  	_ =	strace s4  }
0x98: {  	_ =	strace $0x8FFFFFFF  }
0x99: {  	s19 =	sld [smem:$0x3FDB];
	_ =	sdelay $0x1  }
0x9a: {  	s5 =	simm.s32 $_scs_section_size  }
0x9b: {  	s6 =	simm.s32 $_size__tile_overlayer_lowered;
	s7 =	simm.s32 $_tile_overlayer_lowered  }
0x9c: {  	s22 =	simm.s32 $0x1BFF;
	s21 =	sshll.u32 s7, $0x1;
	s4 =	sadd.s32 s5, s19  }
0x9d: {  	s8 =	simm.s32 $0x0;
	s20 =	sshll.u32 s6, $0x1;
	s6 =	sadd.s32 s21, s4  }
0x9e: {  	[timem:s8], [sflag:s22] =	dma.local [hbm:s6], s20  }
0x9f: {  	_ =	swait.ge [sflag:s22], s20  }
0xa0: {  	s5 =	ssub.s32 $0x0, s20;
	[sflag:s22] =	ssyncset.done $0x0  }
0xa1: {  	[sflag:s22] =	ssyncadd.s32 s5;
	_ =	sdelay $0x1  }
0xa2: {  	s23 =	simm.s32 $0x1B8B  }
0xa3: {  	_ =	swait.ge [sflag:s23], $0x1  }
0xa4: {  	[sflag:s23] =	ssyncset.done $0x0  }
0xa5: {  	s25 =	simm.s32 $0x1B8E;
	s24 =	sld [smem:$0x3FFE];
	[sflag:s23] =	ssyncadd.s32 $0xFFFFFFFF  }
0xa6: {  	s26 =	simm.s32 $execute0_lowered;
	[smem:$0x3FD2] =	sst s25  }
0xa7: {  	s6 =	sshll.u32 s26, $0x1;
	_ =	strace $0x80000046;
	[dreg:$0x1] =	wrdreg $0xFFFFFFFF  }
0xa8: {  	s28 =	simm.s32 $_size_execute0_lowered;
	s4 =	sadd.s32 s4, s6;
	[dreg:$0x0] =	wrdreg $0x0  }
0xa9: {  	s6 =	sshll.u32 s28, $0x1;
	[dreg:$0x2] =	wrdreg s4  }
0xaa: {  	[dreg:$0x3] =	wrdreg s6  }
0xab: {  	[dreg:$0x4] =	wrdreg $0xC0  }
0xac: {  	_ =	task [dreg:s8], $0x5FFFF  }
0xad: {  	[dreg:$0x1] =	wrdreg $0xFFFFFFFF  }
0xae: {  	[dreg:$0x0] =	wrdreg $0x60  }
0xaf: {  	[dreg:$0x2] =	wrdreg s2  }
0xb0: {  	[dreg:$0x3] =	wrdreg s24  }
0xb1: {  	[dreg:$0x4] =	wrdreg s18  }
0xb2: {  	[dreg:$0x5] =	wrdreg $0x9  }
0xb3: {  	_ =	task.clear_ibuf [dreg:s8], $0x6FFFF;
	_ =	strace $0x90000046  }
0xb4: {  	s29 =	simm.s32 $0x9;
	_ =	strace $0x80000048  }
0xb5: {  	_ =	swait.ge [sflag:s29], $0x1  }
0xb6: {  	[sflag:s29] =	ssyncadd.s32 $0xFFFFFFFF  }
0xb7: {  	_ =	strace $0x90000048  }
0xb8: {  	_ =	sfence  }
0xb9: {  	s30 =	sld [smem:$0x0];
	_ =	sdelay $0x2  }
0xba: {  	s31 =	sshll.u32 s1, $0xD;
	s1 =	sshrl.u32 s1, $0x2  }
0xbb: {  	s3 =	sand.u32 $0x4000, s31;
	s1 =	sadd.s32 s1, s30  }
0xbc: {  	s0 =	sor.u32 s3, s0;
	s1 =	sshll.u32 s1, $0x11  }
0xbd: {  	s0 =	sor.u32 s1, s0  }
0xbe: {  	s0 =	sadd.s32 $0x8F2B, s0  }
0xbf: {  	[sflag:s0] =	ssyncadd.remote.s32 $0x1  }
0xc0: {  	_ =	sfence.sel $0xFFFF  }
0xc1: {  	[dreg:$0x0] =	wrdreg $0xFFFFFFFF;
	(pc) =	sbr.abs _section_cstart, $3  }
0xc2: {  	[dreg:$0x1] =	wrdreg $0xFFFFFFFF  }
0xc3: {  	_ =	task.clear_ibuf [dreg:s8], $0x2FFFF;
	_ =	strace $0x9FFFFFFF  }
0xc4: {  	(tm) =	ssettm $0x7FFFFFFF  }
0xc5: {  	_ =	shalt  }
tec
execute0_lowered:
.L_overlay_start_1:
0x0: {  	(tag) =	ssettag $0x1  }
0x1: {  	s5 =	rddreg [dreg:$0x0]  }
0x2: {  	s1 =	rddreg [dreg:$0x1]  }
0x3: {  	s6 =	rddreg [dreg:$0x2];
	s3 =	simm.s32 $0x0  }
0x4: {  	s4 =	srdreg.scid;
	s0 =	stileid.u32;
	s11 =	simm.s32 $0x10280  }
0x5: {  	s12 =	simm.s32 $0x0;
	[smem:$0x7FF] =	sst s3;
	s7 =	sand.u32 $0x1, s4  }
0x6: {  	s8 =	sshll.u32 s0, $0x1;
	s4 =	sadd.s32 $0x186A00, s1;
	s9 =	ssub.s32 $0x2, s7  }
0x7: {  	_ =	strace $0x80000047;
	s7 =	sor.u32 s7, s8;
	s31 =	sshrl.u32 s9, $0x1  }
0x8: {  	s10 =	sshll.u32 s7, $0x6;
	s7 =	sshll.u32 s7, $0xA;
	s8 =	ssub.s32 s9, s31  }
0x9: {  	s5 =	sadd.s32 s5, s10;
	s6 =	sadd.s32 s6, s7;
	s9 =	simm.s32 $0x200  }
0xa: {  	s10 =	simm.s32 $0x1;
	s7 =	smax.u32 s8, $0x1;
	s8 =	simm.s32 $0x2  }
.LBB2_1:
0xb: {  	[tilespmem:s3], [sflag:$0x2] =	stream.linear.gather [hbm4b:s5+s3], $0x200, $0x38;
	[tilespmem:$0x12280] =	vst v63  }
0xc: {  	_ =	swait.ge [sflag:s8], $0x200  }
0xd: {  	[sflag:s8] =	ssyncset.done $0x0  }
0xe: {  	[sflag:s8] =	ssyncadd.s32 $0xFFFFFE00  }
0xf: {  	[tilespmem:s9], [sflag:$0x2] =	stream.linear.gather [hbm4b:s4+s3], $0x80, $0x38;
	[tilespmem:$0x12280] =	vst v63  }
0x10: {  	_ =	swait.ge [sflag:s8], $0x80  }
0x11: {  	[sflag:s8] =	ssyncset.done $0x0  }
0x12: {  	[sflag:s8] =	ssyncadd.s32 $0xFFFFFF80  }
0x13: {  	v0 =	vld [tilespmem:s3+$0x0];
	_ =	sdelay $0x4  }
0x14: {  	v0 =	vshll.u32 v0, $0x4  }
0x15: {  	(v2sf) =	vpush v0, $0x0  }
0x16: {  	(v2sf) =	vpush v0, $0x1  }
0x17: {  	(v2sf) =	vpush v0, $0x2;
	_ =	sdelay $0x1  }
0x18: {  	(v2sf) =	vpush v0, $0x4;
	_ =	sdelay $0x1  }
0x19: {  	(v2sf) =	vpush v0, $0x3  }
0x1a: {  	(v2sf) =	vpush v0, $0x5  }
0x1b: {  	s14 =	simm.s32 $0x2000;
	s13 =	simm.s32 $0x0;
	s15 =	simm.s32 $0x0;
	(v2sf) =	vpush v0, $0x6  }
.LBB2_2:
0x1c: {  	p0 =	sne.s32 s14, $0x3E000  }
0x1d: {  	s25 =	sadd.s32 $0x300, s13;
	s19 =	sadd.s32 $0x800, s13;
	s16 =	smov.u32 s14  }
0x1e: {  	s14 =	sadd.s32 $0x2000, s14;
	s22 =	sadd.s32 $0x600, s13;
	s17 =	sadd.s32 $0x880, s13;
	(v2sf) =	vpush v0, $0x7  }
0x1f: {  	s24 =	sadd.s32 $0x500, s13;
	s21 =	sadd.s32 $0x680, s13;
	s18 =	sadd.s32 $0x900, s13  }
0x20: {  	s26 =	sadd.s32 $0x280, s13;
	s28 =	sadd.s32 $0x480, s13;
	(v2sf) =	vpush v0, $0x8  }
0x21: {  	s29 =	sadd.s32 $0x580, s13;
	s15 =	sadd.s32 $0x10, s15  }
0x22: {  	s30 =	sadd.s32 $0x380, s13;
	s20 =	sadd.s32 $0x780, s13;
	s23 =	spop (v2sf);
	(v2sf) =	vpush v0, $0x9  }
0x23: {  	s31 =	sand.u32 $0x1FFFFFF0, s23;
	s23 =	sadd.s32 $0x700, s13;
	s0 =	spop (v2sf)  }
0x24: {  	s31 =	sadd.s32 s1, s31;
	s0 =	sand.u32 $0x1FFFFFF0, s0;
	s2 =	spop (v2sf);
	(v2sf) =	vpush v0, $0xA  }
0x25: {  	[tilespmem:s26], [sflag:$0x1] =	stream.linear.gather [hbm4b:s31+s3], $0x80, $0x38;
	[tilespmem:$0x12280] =	vst v63  }
0x26: {  	s0 =	sadd.s32 s1, s0;
	s26 =	sadd.s32 $0x400, s13;
	s31 =	spop (v2sf);
	(v2sf) =	vpush v0, $0xB  }
0x27: {  	[tilespmem:s25], [sflag:$0x1] =	stream.linear.gather [hbm4b:s0+s3], $0x80, $0x38;
	[tilespmem:$0x12280] =	vst v63  }
0x28: {  	s0 =	sand.u32 $0x1FFFFFF0, s2;
	s2 =	sand.u32 $0x1FFFFFF0, s31;
	s25 =	spop (v2sf);
	(v2sf) =	vpush v0, $0xC  }
0x29: {  	s0 =	sadd.s32 s1, s0;
	s25 =	sand.u32 $0x1FFFFFF0, s25;
	s31 =	spop (v2sf)  }
0x2a: {  	[tilespmem:s30], [sflag:$0x1] =	stream.linear.gather [hbm4b:s0+s3], $0x80, $0x38;
	(v2sf) =	vpush v0, $0xD;
	[tilespmem:$0x12280] =	vst v63  }
0x2b: {  	s0 =	sadd.s32 s1, s25;
	s25 =	sand.u32 $0x1FFFFFF0, s31;
	s30 =	spop (v2sf)  }
0x2c: {  	[tilespmem:s26], [sflag:$0x1] =	stream.linear.gather [hbm4b:s0+s3], $0x80, $0x38;
	(v2sf) =	vpush v0, $0xE;
	[tilespmem:$0x12280] =	vst v63  }
0x2d: {  	s0 =	sadd.s32 s1, s2;
	s2 =	sand.u32 $0x1FFFFFF0, s30;
	s26 =	spop (v2sf)  }
0x2e: {  	[tilespmem:s28], [sflag:$0x1] =	stream.linear.gather [hbm4b:s0+s3], $0x80, $0x38;
	(v2sf) =	vpush v0, $0xF;
	[tilespmem:$0x12280] =	vst v63  }
0x2f: {  	s0 =	sadd.s32 s1, s25;
	s25 =	sand.u32 $0x1FFFFFF0, s26;
	s26 =	spop (v2sf)  }
0x30: {  	[tilespmem:s24], [sflag:$0x1] =	stream.linear.gather [hbm4b:s0+s3], $0x80, $0x38;
	[tilespmem:$0x12280] =	vst v63  }
0x31: {  	s0 =	sadd.s32 s1, s2;
	s2 =	sand.u32 $0x1FFFFFF0, s26;
	s24 =	spop (v2sf)  }
0x32: {  	[tilespmem:s29], [sflag:$0x1] =	stream.linear.gather [hbm4b:s0+s3], $0x80, $0x38;
	[tilespmem:$0x12280] =	vst v63  }
0x33: {  	s0 =	sadd.s32 s1, s25;
	s24 =	sand.u32 $0x1FFFFFF0, s24;
	s25 =	spop (v2sf)  }
0x34: {  	[tilespmem:s22], [sflag:$0x1] =	stream.linear.gather [hbm4b:s0+s3], $0x80, $0x38;
	[tilespmem:$0x12280] =	vst v63  }
0x35: {  	s0 =	sadd.s32 s1, s2;
	s2 =	sand.u32 $0x1FFFFFF0, s25;
	s22 =	spop (v2sf)  }
0x36: {  	[tilespmem:s21], [sflag:$0x1] =	stream.linear.gather [hbm4b:s0+s3], $0x80, $0x38;
	[tilespmem:$0x12280] =	vst v63  }
0x37: {  	s0 =	sadd.s32 s1, s24;
	s21 =	sand.u32 $0x1FFFFFF0, s22;
	s22 =	spop (v2sf)  }
0x38: {  	[tilespmem:s23], [sflag:$0x1] =	stream.linear.gather [hbm4b:s0+s3], $0x80, $0x38;
	[tilespmem:$0x12280] =	vst v63  }
0x39: {  	s0 =	sadd.s32 s1, s2;
	s2 =	sand.u32 $0x1FFFFFF0, s22;
	s22 =	spop (v2sf)  }
0x3a: {  	[tilespmem:s20], [sflag:$0x1] =	stream.linear.gather [hbm4b:s0+s3], $0x80, $0x38;
	[tilespmem:$0x12280] =	vst v63  }
0x3b: {  	s0 =	sadd.s32 s1, s21;
	s20 =	sand.u32 $0x1FFFFFF0, s22;
	s21 =	spop (v2sf)  }
0x3c: {  	[tilespmem:s19], [sflag:$0x1] =	stream.linear.gather [hbm4b:s0+s3], $0x80, $0x38;
	[tilespmem:$0x12280] =	vst v63  }
0x3d: {  	s0 =	sadd.s32 s1, s2;
	s2 =	sand.u32 $0x1FFFFFF0, s21;
	s19 =	spop (v2sf)  }
0x3e: {  	[tilespmem:s17], [sflag:$0x1] =	stream.linear.gather [hbm4b:s0+s3], $0x80, $0x38;
	[tilespmem:$0x12280] =	vst v63  }
0x3f: {  	s0 =	sadd.s32 s1, s20;
	s17 =	sand.u32 $0x1FFFFFF0, s19  }
0x40: {  	[tilespmem:s18], [sflag:$0x1] =	stream.linear.gather [hbm4b:s0+s3], $0x80, $0x38;
	[tilespmem:$0x12280] =	vst v63  }
0x41: {  	s2 =	sadd.s32 s1, s2;
	s0 =	sadd.s32 $0x980, s13  }
0x42: {  	[tilespmem:s0], [sflag:$0x1] =	stream.linear.gather [hbm4b:s2+s3], $0x80, $0x38;
	[tilespmem:$0x12280] =	vst v63  }
0x43: {  	s0 =	sadd.s32 $0xA00, s13;
	s2 =	sadd.s32 s1, s17  }
0x44: {  	[tilespmem:s0], [sflag:$0x1] =	stream.linear.gather [hbm4b:s2+s3], $0x80, $0x38;
	[tilespmem:$0x12280] =	vst v63  }
0x45: {  	v0 =	vld [tilespmem:s15+$0x0];
	_ =	sdelay $0x4  }
0x46: {  	v0 =	vshll.u32 v0, $0x4  }
0x47: {  	(v2sf) =	vpush v0, $0x0  }
0x48: {  	(v2sf) =	vpush v0, $0x1  }
0x49: {  	(v2sf) =	vpush v0, $0x2;
	_ =	sdelay $0x1  }
0x4a: {  	(v2sf) =	vpush v0, $0x4  }
.Ltmp0:
0x4b: {  	(pc) =	sbr.rel @p0 .LBB2_2-.Ltmp0, $3  }
0x4c: {  	(v2sf) =	vpush v0, $0x3  }
0x4d: {  	(v2sf) =	vpush v0, $0x5;
	_ =	sdelay $0x1  }
0x4e: {  	s13 =	sshra.s32 s16, $0x2;
	(v2sf) =	vpush v0, $0x6  }
0x4f: {  	_ =	sdelay $0x1  }
0x50: {  	s0 =	sadd.s32 $0x300, s13;
	s16 =	sadd.s32 $0x800, s13  }
0x51: {  	s2 =	sadd.s32 $0x600, s13;
	s14 =	sadd.s32 $0x880, s13;
	(v2sf) =	vpush v0, $0x7;
	s17 =	sadd.s32 $0x500, s13  }
0x52: {  	s18 =	sadd.s32 $0x680, s13;
	s15 =	sadd.s32 $0x900, s13;
	s19 =	sadd.s32 $0x280, s13  }
0x53: {  	s20 =	sadd.s32 $0x480, s13;
	s21 =	sadd.s32 $0x580, s13;
	(v2sf) =	vpush v0, $0x8;
	s22 =	spop (v2sf)  }
0x54: {  	s23 =	sadd.s32 $0x380, s13;
	s22 =	sand.u32 $0x1FFFFFF0, s22;
	s24 =	spop (v2sf)  }
0x55: {  	(v2sf) =	vpush v0, $0x9;
	s22 =	sadd.s32 s1, s22;
	s24 =	sand.u32 $0x1FFFFFF0, s24;
	s25 =	spop (v2sf)  }
0x56: {  	[tilespmem:s19], [sflag:$0x1] =	stream.linear.gather [hbm4b:s22+s3], $0x80, $0x38;
	[tilespmem:$0x12280] =	vst v63  }
0x57: {  	(v2sf) =	vpush v0, $0xA;
	s26 =	sadd.s32 s1, s24;
	s29 =	sand.u32 $0x1FFFFFF0, s25;
	s28 =	spop (v2sf)  }
0x58: {  	[tilespmem:s0], [sflag:$0x1] =	stream.linear.gather [hbm4b:s26+s3], $0x80, $0x38;
	[tilespmem:$0x12280] =	vst v63  }
0x59: {  	s19 =	sadd.s32 $0x780, s13;
	(v2sf) =	vpush v0, $0xB;
	s22 =	sadd.s32 s1, s29;
	s30 =	spop (v2sf)  }
0x5a: {  	s0 =	sadd.s32 $0x700, s13;
	s26 =	sadd.s32 $0x400, s13;
	s25 =	sand.u32 $0x1FFFFFF0, s30  }
0x5b: {  	(v2sf) =	vpush v0, $0xC;
	[tilespmem:s23], [sflag:$0x1] =	stream.linear.gather [hbm4b:s22+s3], $0x80, $0x38;
	[tilespmem:$0x12280] =	vst v63  }
0x5c: {  	s31 =	sand.u32 $0x1FFFFFF0, s28;
	s28 =	spop (v2sf);
	s29 =	sadd.s32 s1, s25  }
0x5d: {  	(v2sf) =	vpush v0, $0xD;
	[tilespmem:s26], [sflag:$0x1] =	stream.linear.gather [hbm4b:s29+s3], $0x80, $0x38;
	[tilespmem:$0x12280] =	vst v63  }
0x5e: {  	s22 =	sadd.s32 s1, s31;
	s23 =	sand.u32 $0x1FFFFFF0, s28;
	s30 =	spop (v2sf)  }
0x5f: {  	(v2sf) =	vpush v0, $0xE;
	[tilespmem:s20], [sflag:$0x1] =	stream.linear.gather [hbm4b:s22+s3], $0x80, $0x38;
	[tilespmem:$0x12280] =	vst v63  }
0x60: {  	s23 =	sadd.s32 s1, s23;
	s31 =	sand.u32 $0x1FFFFFF0, s30;
	s24 =	spop (v2sf)  }
0x61: {  	(v2sf) =	vpush v0, $0xF;
	[tilespmem:s17], [sflag:$0x1] =	stream.linear.gather [hbm4b:s23+s3], $0x80, $0x38;
	[tilespmem:$0x12280] =	vst v63  }
0x62: {  	s25 =	sand.u32 $0x1FFFFFF0, s24;
	s26 =	spop (v2sf);
	s20 =	sadd.s32 s1, s31  }
0x63: {  	[tilespmem:s21], [sflag:$0x1] =	stream.linear.gather [hbm4b:s20+s3], $0x80, $0x38;
	[tilespmem:$0x12280] =	vst v63  }
0x64: {  	s28 =	sand.u32 $0x1FFFFFF0, s26;
	s17 =	sadd.s32 s1, s25;
	s29 =	spop (v2sf)  }
0x65: {  	[tilespmem:s2], [sflag:$0x1] =	stream.linear.gather [hbm4b:s17+s3], $0x80, $0x38;
	[tilespmem:$0x12280] =	vst v63  }
0x66: {  	s20 =	sadd.s32 s1, s28;
	s30 =	sand.u32 $0x1FFFFFF0, s29;
	s31 =	spop (v2sf)  }
0x67: {  	[tilespmem:s18], [sflag:$0x1] =	stream.linear.gather [hbm4b:s20+s3], $0x80, $0x38;
	[tilespmem:$0x12280] =	vst v63  }
0x68: {  	s17 =	sand.u32 $0x1FFFFFF0, s31;
	s2 =	sadd.s32 s1, s30;
	s20 =	spop (v2sf)  }
0x69: {  	[tilespmem:s0], [sflag:$0x1] =	stream.linear.gather [hbm4b:s2+s3], $0x80, $0x38;
	[tilespmem:$0x12280] =	vst v63  }
0x6a: {  	s17 =	sadd.s32 s1, s17;
	s21 =	sand.u32 $0x1FFFFFF0, s20;
	s22 =	spop (v2sf)  }
0x6b: {  	[tilespmem:s19], [sflag:$0x1] =	stream.linear.gather [hbm4b:s17+s3], $0x80, $0x38;
	[tilespmem:$0x12280] =	vst v63  }
0x6c: {  	s0 =	sadd.s32 s1, s21;
	s2 =	sand.u32 $0x1FFFFFF0, s22;
	s23 =	spop (v2sf)  }
0x6d: {  	[tilespmem:s16], [sflag:$0x1] =	stream.linear.gather [hbm4b:s0+s3], $0x80, $0x38;
	[tilespmem:$0x12280] =	vst v63  }
0x6e: {  	s24 =	sand.u32 $0x1FFFFFF0, s23;
	s2 =	sadd.s32 s1, s2;
	s25 =	spop (v2sf)  }
0x6f: {  	[tilespmem:s14], [sflag:$0x1] =	stream.linear.gather [hbm4b:s2+s3], $0x80, $0x38;
	[tilespmem:$0x12280] =	vst v63  }
0x70: {  	s26 =	sand.u32 $0x1FFFFFF0, s25;
	s28 =	spop (v2sf);
	s0 =	sadd.s32 s1, s24  }
0x71: {  	[tilespmem:s15], [sflag:$0x1] =	stream.linear.gather [hbm4b:s0+s3], $0x80, $0x38;
	[tilespmem:$0x12280] =	vst v63  }
0x72: {  	s30 =	sadd.s32 $0x980, s13;
	s29 =	sand.u32 $0x1FFFFFF0, s28;
	s2 =	sadd.s32 s1, s26  }
0x73: {  	[tilespmem:s30], [sflag:$0x1] =	stream.linear.gather [hbm4b:s2+s3], $0x80, $0x38;
	[tilespmem:$0x12280] =	vst v63  }
0x74: {  	s31 =	sadd.s32 $0xA00, s13;
	s0 =	sadd.s32 s1, s29  }
0x75: {  	[tilespmem:s31], [sflag:$0x1] =	stream.linear.gather [hbm4b:s0+s3], $0x80, $0x38;
	[tilespmem:$0x12280] =	vst v63  }
0x76: {  	_ =	swait.ge [sflag:s10], $0x10000  }
0x77: {  	[sflag:s10] =	ssyncset.done $0x0  }
0x78: {  	[sflag:s10] =	ssyncadd.s32 $0xFFFF0000  }
0x79: {  	v4 =	vld [tilespmem:$0x200];
	_ =	sdelay $0x1  }
0x7a: {  	s14 =	simm.s32 $0x2A0  }
0x7b: {  	v1 =	vld [tilespmem:s14+$0xFFFFFFE0]  }
0x7c: {  	v2 =	vld [tilespmem:s14+$0xFFFFFFF0]  }
0x7d: {  	v3 =	vld [tilespmem:s14+$0x0];
	v0 =	vand.u32 $0xF, v4  }
0x7e: {  	s13 =	simm.s32 $0x0;
	s15 =	simm.s32 $0x40;
	vm0 =	vlt.s32 v4, $0x30;
	vm1 =	vlt.s32 v4, $0x20;
	vm2 =	vlt.s32 v4, $0x10;
	v4 =	vld [tilespmem:s14+$0x10]  }
.LBB2_4:
0x7f: {  	p0 =	sne.s32 s15, $0x7FC0;
	_ =	sdelay $0x2  }
0x80: {  	v1 =	vperm.xlane v1, v0;
	v2 =	vperm.xlane v2, v0  }
0x81: {  	v3 =	vperm.xlane v3, v0;
	v4 =	vperm.xlane v4, v0;
	_ =	sdelay $0x1  }
0x82: {  	v1 =	vsel vm2, v1, v2;
	v2 =	vsel vm0, v3, v4  }
0x83: {  	s0 =	sshra.s32 s13, $0x2;
	s13 =	smov.u32 s15;
	v1 =	vsel vm1, v1, v2  }
.Ltmp1:
0x84: {  	s14 =	sadd.s32 $0x80, s14;
	[tilespmem:s0+$0x10280] =	vst v1;
	(pc) =	sbr.rel @p0 .LBB2_4-.Ltmp1, $4  }
0x85: {  	v1 =	vld [tilespmem:s14+$0xFFFFFFE0]  }
0x86: {  	v2 =	vld [tilespmem:s14+$0xFFFFFFF0]  }
0x87: {  	v3 =	vld [tilespmem:s14+$0x0]  }
0x88: {  	s15 =	sadd.s32 $0x40, s15;
	v4 =	vld [tilespmem:s14+$0x10]  }
0x89: {  	_ =	sdelay $0x2  }
0x8a: {  	v1 =	vperm.xlane v1, v0;
	v2 =	vperm.xlane v2, v0  }
0x8b: {  	v3 =	vperm.xlane v3, v0;
	v63 =	vperm.xlane v4, v0;
	_ =	sdelay $0x1  }
0x8c: {  	s12 =	sadd.s32 $0x1, s12;
	v1 =	vsel vm2, v1, v2;
	v0 =	vsel vm0, v3, v63  }
0x8d: {  	s0 =	sshra.s32 s13, $0x2;
	p0 =	sne.s32 s12, s7;
	v0 =	vsel vm1, v1, v0  }
.Ltmp2:
0x8e: {  	[tilespmem:s0+$0x10280] =	vst v0;
	(pc) =	sbr.rel @p0 .LBB2_1-.Ltmp2, $4  }
0x8f: {  	[hbm4b:s6+s3] =	stream.linear.scatter [tilespmem:s11], [sflag:$0x2], $0x2000, $0x38;
	[tilespmem:$0x12280] =	vst v63  }
0x90: {  	_ =	swait.ge [sflag:s8], $0x2000  }
0x91: {  	[sflag:s8] =	ssyncset.done $0x0  }
0x92: {  	[sflag:s8] =	ssyncadd.s32 $0xFFFFE000  }
0x93: {  	_ =	sfence.sel $0x180000  }
0x94: {  	[bflag:$0x0] =	sbarrier.arrive $0xFFFF  }
0x95: {  	_ =	strace $0x90000047  }
0x96: {  	s0 =	stileid.u32;
	[bflag:$0x2] =	sbarrier.arrive $0xFFFF  }
0x97: {  	p0 =	sne.s32 s0, $0x0;
	s0 =	rddreg [dreg:$0x3]  }
0x98: {  	s0 =	sadd.s32 @!p0 $0x100000, s0  }
0x99: {  	[sflag:s0] =	ssyncadd.tile.s32 @!p0 $0x1;
	_ =	shalt  }
.Lfunc_end2:
_tile_overlayer_lowered:
.L_overlay_start_2:
0x9a: {  	(tag) =	ssettag $0x2  }
0x9b: {  	s0 =	rddreg [dreg:$0x0];
	s2 =	stileid.u32  }
0x9c: {  	s1 =	rddreg [dreg:$0x1];
	p0 =	sne.s32 s2, $0x0  }
0x9d: {  	s3 =	rddreg [dreg:$0x2];
	[bflag:$0x3] =	sbarrier.arrive $0xFFFF;
	s2 =	simm.s32 @!p0 $0x1C02  }
0x9e: {  	[timem:s3], [sflag:s2] =	dma.local @!p0 [hbm:s0], s1  }
0x9f: {  	s0 =	simm.s32 @!p0 $0x2  }
0xa0: {  	_ =	swait.ge @!p0 [sflag:s0], s1  }
0xa1: {  	s1 =	ssub.s32 @!p0 $0x0, s1;
	[sflag:s0] =	ssyncset.done @!p0 $0x0  }
0xa2: {  	[sflag:s0] =	ssyncadd.s32 @!p0 s1  }
0xa3: {  	[bflag:$0x3] =	sbarrier.arrive $0xFFFF  }
0xa4: {  	_ =	shalt  }

</sc_bundles>
